<compile_context>
chip_gen: v7x
topology: tpu7x:2x2x1
jax: 0.10.2.dev20260603
libtpu: 0.0.44.dev20260713+nightly
codegen_flags: <defaults>
</compile_context>

<pallas_src>
import jax
import jax.numpy as jnp
from jax import lax
from jax.experimental import pallas as pl
from jax.experimental.pallas import tpu as pltpu
from jax.experimental.pallas import tpu_sc as plsc

_RANK = 16
_CHUNK = 30
_E_BLK = 512
_NW = 32


def _gather_body(x0_hbm, x1_hbm, x2_hbm, lhsw_hbm, relw_hbm, rhsw_hbm,
                 lhs_out, rel_out, rhs_out, qsp_out, qpo_out,
                 idx_v, lhs_v, rel_v, rhs_v, qsp_v, qpo_v, sem):
    nc = 2
    wid = lax.axis_index("s") * nc + lax.axis_index("c")
    b_per_w = lhs_v.shape[0]
    base = wid * b_per_w

    pltpu.sync_copy(x0_hbm.at[pl.ds(base, b_per_w)], idx_v)
    pltpu.async_copy(lhsw_hbm.at[idx_v], lhs_v, sem).wait()
    pltpu.sync_copy(x1_hbm.at[pl.ds(base, b_per_w)], idx_v)
    pltpu.async_copy(relw_hbm.at[idx_v], rel_v, sem).wait()
    pltpu.sync_copy(x2_hbm.at[pl.ds(base, b_per_w)], idx_v)
    pltpu.async_copy(rhsw_hbm.at[idx_v], rhs_v, sem).wait()

    for i in range(b_per_w):
        r = rhs_v[i, :]
        e = rel_v[i, :]
        qsp_v[i, :] = r + e
        qpo_v[i, :] = r - e

    pltpu.sync_copy(lhs_v, lhs_out.at[pl.ds(base, b_per_w)])
    pltpu.sync_copy(rel_v, rel_out.at[pl.ds(base, b_per_w)])
    pltpu.sync_copy(rhs_v, rhs_out.at[pl.ds(base, b_per_w)])
    pltpu.sync_copy(qsp_v, qsp_out.at[pl.ds(base, b_per_w)])
    pltpu.sync_copy(qpo_v, qpo_out.at[pl.ds(base, b_per_w)])


def _sc_gather(x0, x1, x2, lhs_weight, rel_weight, rhs_weight):
    b = x0.shape[0]
    b_per_w = b // _NW
    emb = jax.ShapeDtypeStruct((b, _RANK), jnp.float32)
    mesh = plsc.VectorSubcoreMesh(core_axis_name="c", subcore_axis_name="s")
    run = pl.kernel(
        _gather_body,
        out_type=[emb, emb, emb, emb, emb],
        mesh=mesh,
        scratch_types=[
            pltpu.VMEM((b_per_w,), jnp.int32),
            pltpu.VMEM((b_per_w, _RANK), jnp.float32),
            pltpu.VMEM((b_per_w, _RANK), jnp.float32),
            pltpu.VMEM((b_per_w, _RANK), jnp.float32),
            pltpu.VMEM((b_per_w, _RANK), jnp.float32),
            pltpu.VMEM((b_per_w, _RANK), jnp.float32),
            pltpu.SemaphoreType.DMA,
        ],
        compiler_params=pltpu.CompilerParams(use_tc_tiling_on_sc=False),
    )
    return run(x0, x1, x2, lhs_weight, rel_weight, rhs_weight)


def _score_body(qsp_ref, qpo_ref, tr_ref, tl_ref, osp_ref, opo_ref):
    qsp = qsp_ref[...]
    qpo = qpo_ref[...]
    tr = tr_ref[...]
    tl = tl_ref[...]
    acc_sp = jnp.abs(qsp[:, 0:1] - tr[0:1, :])
    acc_po = jnp.abs(qpo[:, 0:1] - tl[0:1, :])
    for d in range(1, _RANK):
        acc_sp = acc_sp + jnp.abs(qsp[:, d:d + 1] - tr[d:d + 1, :])
        acc_po = acc_po + jnp.abs(qpo[:, d:d + 1] - tl[d:d + 1, :])
    osp_ref[...] = -acc_sp
    opo_ref[...] = -acc_po


def _tc_scores(q_sp, q_po, rhs_t, lhs_t):
    b = q_sp.shape[0]
    n_ent = rhs_t.shape[1]
    grid = (pl.cdiv(n_ent, _E_BLK),)
    out = jax.ShapeDtypeStruct((b, n_ent), jnp.float32)
    emb_spec = pl.BlockSpec((b, _RANK), lambda i: (0, 0))
    return pl.pallas_call(
        _score_body,
        grid=grid,
        in_specs=[
            emb_spec,
            emb_spec,
            pl.BlockSpec((_RANK, _E_BLK), lambda i: (0, i)),
            pl.BlockSpec((_RANK, _E_BLK), lambda i: (0, i)),
        ],
        out_specs=[
            pl.BlockSpec((b, _E_BLK), lambda i: (0, i)),
            pl.BlockSpec((b, _E_BLK), lambda i: (0, i)),
        ],
        out_shape=[out, out],
        compiler_params=pltpu.CompilerParams(
            dimension_semantics=("parallel",),
        ),
    )(q_sp, q_po, rhs_t, lhs_t)


def kernel(x, lhs_weight, rel_weight, rhs_weight):
    x = x.astype(jnp.int32)
    x0 = x[:, 0]
    x1 = x[:, 1]
    x2 = x[:, 2]

    lhs_g, rel_g, rhs_g, q_sp, q_po = _sc_gather(
        x0, x1, x2, lhs_weight, rel_weight, rhs_weight)

    neg_sp, neg_po = _tc_scores(
        q_sp, q_po, rhs_weight.T, lhs_weight.T)

    b = x.shape[0]
    lhs_chunks = tuple(lhs_g[i:i + _CHUNK] for i in range(0, b, _CHUNK))
    rel_chunks = tuple(rel_g[i:i + _CHUNK] for i in range(0, b, _CHUNK))
    rhs_chunks = tuple(rhs_g[i:i + _CHUNK] for i in range(0, b, _CHUNK))
    return (neg_sp, neg_po, (lhs_chunks, rel_chunks, rhs_chunks))

# --- scband reference (transcript-rebuilt; emitter-appended) ---
"""Pipeline reference for scband-trans-e-mc-32126355374174 (READ-ONLY COPY).

The authoritative reference and input builder live on the scoring server;
editing this copy changes nothing except your own understanding.
"""

import jax, jax.numpy as jnp
import numpy as np

N_ENT = 10000
N_REL = 500
RANK = 16
INIT_SIZE = 0.001
BATCH = 512
CHUNK = 30

def setup_inputs(seed: int = 0) -> dict:
    key = jax.random.key(seed)
    k0, k1, k2, k3 = jax.random.split(key, 4)
    x = jax.random.randint(k0, (BATCH, 3), 0, N_REL, dtype=jnp.int64) if jax.config.jax_enable_x64 else jax.random.randint(k0, (BATCH, 3), 0, N_REL).astype(jnp.int32)
    lhs_weight = jax.random.normal(k1, (N_ENT, RANK), dtype=jnp.float32) * INIT_SIZE
    rel_weight = jax.random.normal(k2, (N_REL, RANK), dtype=jnp.float32) * INIT_SIZE
    rhs_weight = jax.random.normal(k3, (N_ENT, RANK), dtype=jnp.float32) * INIT_SIZE
    return {"x": x, "lhs_weight": lhs_weight, "rel_weight": rel_weight, "rhs_weight": rhs_weight}

def reference(x, lhs_weight, rel_weight, rhs_weight):
    # TransE_MC.forward with norm_='l1' (norm=1).
    # NOTE: faithful to the original code, which zips (rhs, rel, rhs) chunks,
    # i.e. the 'l' term in scores_sp comes from the rhs embeddings.
    lhs = jnp.take(lhs_weight, x[:, 0], axis=0)
    rel = jnp.take(rel_weight, x[:, 1], axis=0)
    rhs = jnp.take(rhs_weight, x[:, 2], axis=0)
    lhs_chunks, rel_chunks, rhs_chunks = [], [], []
    sp_chunks, po_chunks = [], []
    B = x.shape[0]
    for b in range(0, B, CHUNK):
        l = rhs[b:b + CHUNK]
        rl = rel[b:b + CHUNK]
        rh = rhs[b:b + CHUNK]
        lhs_chunks.append(lhs[b:b + CHUNK])
        rel_chunks.append(rl)
        rhs_chunks.append(rh)
        # scores_sp_tmp = || (l + rl)[:, None] - rhs.weight ||_1 over dim 2 -> [chunk, N_ENT]
        sp = jnp.sum(jnp.abs((l + rl)[:, None, :] - rhs_weight[None, :, :]), axis=2)
        # scores_po_tmp = || lhs.weight + rl[:, None] - rh[:, None] ||_1 over dim 2 -> [chunk, N_ENT]
        po = jnp.sum(jnp.abs(lhs_weight[None, :, :] + rl[:, None, :] - rh[:, None, :]), axis=2)
        sp_chunks.append(sp)
        po_chunks.append(po)
    scores_sp = jnp.concatenate(sp_chunks, axis=0)
    scores_po = jnp.concatenate(po_chunks, axis=0)
    return (-scores_sp, -scores_po, (tuple(lhs_chunks), tuple(rel_chunks), tuple(rhs_chunks)))

if __name__ == "__main__":
    import jax
    _d = setup_inputs()
    print(jax.jit(kernel)(*tuple(_d.values())))

</pallas_src>

<mosaic_0001>
#map = affine_map<(d0, d1) -> (0)>
#map1 = affine_map<(d0, d1) -> (0, 0)>
module attributes {stable_mosaic.version = 14 : i64} {
  func.func @_gather_body(%arg0: i32, %arg1: i32, %arg2: memref<512xi32, #tpu.memory_space<hbm>>, %arg3: memref<512xi32, #tpu.memory_space<hbm>>, %arg4: memref<512xi32, #tpu.memory_space<hbm>>, %arg5: memref<10000x16xf32, #tpu.memory_space<hbm>>, %arg6: memref<500x16xf32, #tpu.memory_space<hbm>>, %arg7: memref<10000x16xf32, #tpu.memory_space<hbm>>, %arg8: memref<512x16xf32, #tpu.memory_space<hbm>>, %arg9: memref<512x16xf32, #tpu.memory_space<hbm>>, %arg10: memref<512x16xf32, #tpu.memory_space<hbm>>, %arg11: memref<512x16xf32, #tpu.memory_space<hbm>>, %arg12: memref<512x16xf32, #tpu.memory_space<hbm>>, %arg13: memref<16xi32, #tpu.memory_space<vmem>>, %arg14: memref<16x16xf32, #tpu.memory_space<vmem>>, %arg15: memref<16x16xf32, #tpu.memory_space<vmem>>, %arg16: memref<16x16xf32, #tpu.memory_space<vmem>>, %arg17: memref<16x16xf32, #tpu.memory_space<vmem>>, %arg18: memref<16x16xf32, #tpu.memory_space<vmem>>, %arg19: memref<!tpu.dma_semaphore, #tpu.memory_space<semaphore_mem>>) attributes {dimension_semantics = [#tpu.dimension_semantics<core_parallel>, #tpu.dimension_semantics<subcore_parallel>], iteration_bounds = array<i64: 2, 16>, scalar_prefetch = 0 : i64, scratch_operands = 7 : i64, tpu.core_type = #tpu.core_type<sc_vector_subcore>, window_params = [{transform_indices = #map}, {transform_indices = #map}, {transform_indices = #map}, {transform_indices = #map1}, {transform_indices = #map1}, {transform_indices = #map1}, {transform_indices = #map1}, {transform_indices = #map1}, {transform_indices = #map1}, {transform_indices = #map1}, {transform_indices = #map1}]} {
    %mul3A = arith.constant 2 : i32
    %mul3A_0 = arith.muli %arg1, %mul3A : i32
    %add3A = arith.addi %mul3A_0, %arg0 : i32
    %mul3A_1 = arith.constant 16 : i32
    %mul3A_2 = arith.muli %add3A, %mul3A_1 : i32
    "tpu.region"() ({
      %run_scoped3A = tpu.sem_alloc : memref<!tpu.dma_semaphore, #tpu.memory_space<semaphore_mem>>
      %dma_start3A_400 = tpu.memref_slice %arg2[%mul3A_2] : memref<512xi32, #tpu.memory_space<hbm>> -> memref<16xi32, #tpu.memory_space<hbm>>
      %dma_start3A_401 = tpu.memref_slice %arg2[%mul3A_2] : memref<512xi32, #tpu.memory_space<hbm>> -> memref<16xi32, #tpu.memory_space<hbm>>
      tpu.enqueue_dma source(%dma_start3A_401 : memref<16xi32, #tpu.memory_space<hbm>>) target(%arg13 : memref<16xi32, #tpu.memory_space<vmem>>) target_semaphore(%run_scoped3A : memref<!tpu.dma_semaphore, #tpu.memory_space<semaphore_mem>>)
      %dma_wait3A_402 = tpu.memref_slice %arg2[%mul3A_2] : memref<512xi32, #tpu.memory_space<hbm>> -> memref<16xi32, #tpu.memory_space<hbm>>
      %dma_wait3A_403 = tpu.memref_slice %arg2[%mul3A_2] : memref<512xi32, #tpu.memory_space<hbm>> -> memref<16xi32, #tpu.memory_space<hbm>>
      tpu.wait_dma2 semaphore(%run_scoped3A : memref<!tpu.dma_semaphore, #tpu.memory_space<semaphore_mem>>) src(%dma_wait3A_403 : memref<16xi32, #tpu.memory_space<hbm>>) dst(%arg13 : memref<16xi32, #tpu.memory_space<vmem>>)
      tpu.yield
    }) : () -> ()
    %dma_start3A = arith.constant 0 : i32
    %dma_start3A_3 = arith.constant 0 : i32
    %dma_start3A_4 = tpu.memref_slice %arg5[%dma_start3A, %dma_start3A_3] : memref<10000x16xf32, #tpu.memory_space<hbm>> -> memref<10000x16xf32, #tpu.memory_space<hbm>>
    tpu.enqueue_indirect_dma source(%dma_start3A_4 : memref<10000x16xf32, #tpu.memory_space<hbm>>) target(%arg14 : memref<16x16xf32, #tpu.memory_space<vmem>>) offsets(%arg13 : memref<16xi32, #tpu.memory_space<vmem>>) semaphore(%arg19 : memref<!tpu.dma_semaphore, #tpu.memory_space<semaphore_mem>>)
    %dma_wait3A = arith.constant 0 : i32
    %dma_wait3A_5 = arith.constant 0 : i32
    %dma_wait3A_6 = tpu.memref_slice %arg5[%dma_wait3A, %dma_wait3A_5] : memref<10000x16xf32, #tpu.memory_space<hbm>> -> memref<10000x16xf32, #tpu.memory_space<hbm>>
    tpu.wait_indirect_dma semaphore(%arg19 : memref<!tpu.dma_semaphore, #tpu.memory_space<semaphore_mem>>) src(%dma_wait3A_6 : memref<10000x16xf32, #tpu.memory_space<hbm>>) dst(%arg14 : memref<16x16xf32, #tpu.memory_space<vmem>>)
    "tpu.region"() ({
      %run_scoped3A = tpu.sem_alloc : memref<!tpu.dma_semaphore, #tpu.memory_space<semaphore_mem>>
      %dma_start3A_400 = tpu.memref_slice %arg3[%mul3A_2] : memref<512xi32, #tpu.memory_space<hbm>> -> memref<16xi32, #tpu.memory_space<hbm>>
      %dma_start3A_401 = tpu.memref_slice %arg3[%mul3A_2] : memref<512xi32, #tpu.memory_space<hbm>> -> memref<16xi32, #tpu.memory_space<hbm>>
      tpu.enqueue_dma source(%dma_start3A_401 : memref<16xi32, #tpu.memory_space<hbm>>) target(%arg13 : memref<16xi32, #tpu.memory_space<vmem>>) target_semaphore(%run_scoped3A : memref<!tpu.dma_semaphore, #tpu.memory_space<semaphore_mem>>)
      %dma_wait3A_402 = tpu.memref_slice %arg3[%mul3A_2] : memref<512xi32, #tpu.memory_space<hbm>> -> memref<16xi32, #tpu.memory_space<hbm>>
      %dma_wait3A_403 = tpu.memref_slice %arg3[%mul3A_2] : memref<512xi32, #tpu.memory_space<hbm>> -> memref<16xi32, #tpu.memory_space<hbm>>
      tpu.wait_dma2 semaphore(%run_scoped3A : memref<!tpu.dma_semaphore, #tpu.memory_space<semaphore_mem>>) src(%dma_wait3A_403 : memref<16xi32, #tpu.memory_space<hbm>>) dst(%arg13 : memref<16xi32, #tpu.memory_space<vmem>>)
      tpu.yield
    }) : () -> ()
    %dma_start3A_7 = arith.constant 0 : i32
    %dma_start3A_8 = arith.constant 0 : i32
    %dma_start3A_9 = tpu.memref_slice %arg6[%dma_start3A_7, %dma_start3A_8] : memref<500x16xf32, #tpu.memory_space<hbm>> -> memref<500x16xf32, #tpu.memory_space<hbm>>
    tpu.enqueue_indirect_dma source(%dma_start3A_9 : memref<500x16xf32, #tpu.memory_space<hbm>>) target(%arg15 : memref<16x16xf32, #tpu.memory_space<vmem>>) offsets(%arg13 : memref<16xi32, #tpu.memory_space<vmem>>) semaphore(%arg19 : memref<!tpu.dma_semaphore, #tpu.memory_space<semaphore_mem>>)
    %dma_wait3A_10 = arith.constant 0 : i32
    %dma_wait3A_11 = arith.constant 0 : i32
    %dma_wait3A_12 = tpu.memref_slice %arg6[%dma_wait3A_10, %dma_wait3A_11] : memref<500x16xf32, #tpu.memory_space<hbm>> -> memref<500x16xf32, #tpu.memory_space<hbm>>
    tpu.wait_indirect_dma semaphore(%arg19 : memref<!tpu.dma_semaphore, #tpu.memory_space<semaphore_mem>>) src(%dma_wait3A_12 : memref<500x16xf32, #tpu.memory_space<hbm>>) dst(%arg15 : memref<16x16xf32, #tpu.memory_space<vmem>>)
    "tpu.region"() ({
      %run_scoped3A = tpu.sem_alloc : memref<!tpu.dma_semaphore, #tpu.memory_space<semaphore_mem>>
      %dma_start3A_400 = tpu.memref_slice %arg4[%mul3A_2] : memref<512xi32, #tpu.memory_space<hbm>> -> memref<16xi32, #tpu.memory_space<hbm>>
      %dma_start3A_401 = tpu.memref_slice %arg4[%mul3A_2] : memref<512xi32, #tpu.memory_space<hbm>> -> memref<16xi32, #tpu.memory_space<hbm>>
      tpu.enqueue_dma source(%dma_start3A_401 : memref<16xi32, #tpu.memory_space<hbm>>) target(%arg13 : memref<16xi32, #tpu.memory_space<vmem>>) target_semaphore(%run_scoped3A : memref<!tpu.dma_semaphore, #tpu.memory_space<semaphore_mem>>)
      %dma_wait3A_402 = tpu.memref_slice %arg4[%mul3A_2] : memref<512xi32, #tpu.memory_space<hbm>> -> memref<16xi32, #tpu.memory_space<hbm>>
      %dma_wait3A_403 = tpu.memref_slice %arg4[%mul3A_2] : memref<512xi32, #tpu.memory_space<hbm>> -> memref<16xi32, #tpu.memory_space<hbm>>
      tpu.wait_dma2 semaphore(%run_scoped3A : memref<!tpu.dma_semaphore, #tpu.memory_space<semaphore_mem>>) src(%dma_wait3A_403 : memref<16xi32, #tpu.memory_space<hbm>>) dst(%arg13 : memref<16xi32, #tpu.memory_space<vmem>>)
      tpu.yield
    }) : () -> ()
    %dma_start3A_13 = arith.constant 0 : i32
    %dma_start3A_14 = arith.constant 0 : i32
    %dma_start3A_15 = tpu.memref_slice %arg7[%dma_start3A_13, %dma_start3A_14] : memref<10000x16xf32, #tpu.memory_space<hbm>> -> memref<10000x16xf32, #tpu.memory_space<hbm>>
    tpu.enqueue_indirect_dma source(%dma_start3A_15 : memref<10000x16xf32, #tpu.memory_space<hbm>>) target(%arg16 : memref<16x16xf32, #tpu.memory_space<vmem>>) offsets(%arg13 : memref<16xi32, #tpu.memory_space<vmem>>) semaphore(%arg19 : memref<!tpu.dma_semaphore, #tpu.memory_space<semaphore_mem>>)
    %dma_wait3A_16 = arith.constant 0 : i32
    %dma_wait3A_17 = arith.constant 0 : i32
    %dma_wait3A_18 = tpu.memref_slice %arg7[%dma_wait3A_16, %dma_wait3A_17] : memref<10000x16xf32, #tpu.memory_space<hbm>> -> memref<10000x16xf32, #tpu.memory_space<hbm>>
    tpu.wait_indirect_dma semaphore(%arg19 : memref<!tpu.dma_semaphore, #tpu.memory_space<semaphore_mem>>) src(%dma_wait3A_18 : memref<10000x16xf32, #tpu.memory_space<hbm>>) dst(%arg16 : memref<16x16xf32, #tpu.memory_space<vmem>>)
    %get3A = arith.constant 0 : i32
    %get3A_19 = arith.index_cast %get3A : i32 to index
    %get3A_20 = arith.constant 0 : index
    %get3A_21 = tpu.vector_load %arg16[%get3A_19, %get3A_20] {strides = array<i32>} : memref<16x16xf32, #tpu.memory_space<vmem>>, vector<1x16xf32>,
    %get3A_22 = vector.shape_cast %get3A_21 : vector<1x16xf32> to vector<16xf32>
    %get3A_23 = arith.constant 0 : i32
    %get3A_24 = arith.index_cast %get3A_23 : i32 to index
    %get3A_25 = arith.constant 0 : index
    %get3A_26 = tpu.vector_load %arg15[%get3A_24, %get3A_25] {strides = array<i32>} : memref<16x16xf32, #tpu.memory_space<vmem>>, vector<1x16xf32>,
    %get3A_27 = vector.shape_cast %get3A_26 : vector<1x16xf32> to vector<16xf32>
    %add3A_28 = arith.addf %get3A_22, %get3A_27 : vector<16xf32>
    %swap3A = arith.constant 0 : i32
    %swap3A_29 = arith.index_cast %swap3A : i32 to index
    %swap3A_30 = arith.constant 0 : index
    %swap3A_31 = tpu.vector_load %arg17[%swap3A_29, %swap3A_30] {strides = array<i32>} : memref<16x16xf32, #tpu.memory_space<vmem>>, vector<1x16xf32>,
    %swap3A_32 = vector.shape_cast %swap3A_31 : vector<1x16xf32> to vector<16xf32>
    %swap3A_33 = vector.shape_cast %add3A_28 : vector<16xf32> to vector<1x16xf32>
    tpu.vector_store %arg17[%swap3A_29, %swap3A_30], %swap3A_33 {strides = array<i32>} : memref<16x16xf32, #tpu.memory_space<vmem>>, vector<1x16xf32>,
    %sub3A = arith.subf %get3A_22, %get3A_27 : vector<16xf32>
    %swap3A_34 = arith.constant 0 : i32
    %swap3A_35 = arith.index_cast %swap3A_34 : i32 to index
    %swap3A_36 = arith.constant 0 : index
    %swap3A_37 = tpu.vector_load %arg18[%swap3A_35, %swap3A_36] {strides = array<i32>} : memref<16x16xf32, #tpu.memory_space<vmem>>, vector<1x16xf32>,
    %swap3A_38 = vector.shape_cast %swap3A_37 : vector<1x16xf32> to vector<16xf32>
    %swap3A_39 = vector.shape_cast %sub3A : vector<16xf32> to vector<1x16xf32>
    tpu.vector_store %arg18[%swap3A_35, %swap3A_36], %swap3A_39 {strides = array<i32>} : memref<16x16xf32, #tpu.memory_space<vmem>>, vector<1x16xf32>,
    %get3A_40 = arith.constant 1 : i32
    %get3A_41 = arith.index_cast %get3A_40 : i32 to index
    %get3A_42 = arith.constant 0 : index
    %get3A_43 = tpu.vector_load %arg16[%get3A_41, %get3A_42] {strides = array<i32>} : memref<16x16xf32, #tpu.memory_space<vmem>>, vector<1x16xf32>,
    %get3A_44 = vector.shape_cast %get3A_43 : vector<1x16xf32> to vector<16xf32>
    %get3A_45 = arith.constant 1 : i32
    %get3A_46 = arith.index_cast %get3A_45 : i32 to index
    %get3A_47 = arith.constant 0 : index
    %get3A_48 = tpu.vector_load %arg15[%get3A_46, %get3A_47] {strides = array<i32>} : memref<16x16xf32, #tpu.memory_space<vmem>>, vector<1x16xf32>,
    %get3A_49 = vector.shape_cast %get3A_48 : vector<1x16xf32> to vector<16xf32>
    %add3A_50 = arith.addf %get3A_44, %get3A_49 : vector<16xf32>
    %swap3A_51 = arith.constant 1 : i32
    %swap3A_52 = arith.index_cast %swap3A_51 : i32 to index
    %swap3A_53 = arith.constant 0 : index
    %swap3A_54 = tpu.vector_load %arg17[%swap3A_52, %swap3A_53] {strides = array<i32>} : memref<16x16xf32, #tpu.memory_space<vmem>>, vector<1x16xf32>,
    %swap3A_55 = vector.shape_cast %swap3A_54 : vector<1x16xf32> to vector<16xf32>
    %swap3A_56 = vector.shape_cast %add3A_50 : vector<16xf32> to vector<1x16xf32>
    tpu.vector_store %arg17[%swap3A_52, %swap3A_53], %swap3A_56 {strides = array<i32>} : memref<16x16xf32, #tpu.memory_space<vmem>>, vector<1x16xf32>,
    %sub3A_57 = arith.subf %get3A_44, %get3A_49 : vector<16xf32>
    %swap3A_58 = arith.constant 1 : i32
    %swap3A_59 = arith.index_cast %swap3A_58 : i32 to index
    %swap3A_60 = arith.constant 0 : index
    %swap3A_61 = tpu.vector_load %arg18[%swap3A_59, %swap3A_60] {strides = array<i32>} : memref<16x16xf32, #tpu.memory_space<vmem>>, vector<1x16xf32>,
    %swap3A_62 = vector.shape_cast %swap3A_61 : vector<1x16xf32> to vector<16xf32>
    %swap3A_63 = vector.shape_cast %sub3A_57 : vector<16xf32> to vector<1x16xf32>
    tpu.vector_store %arg18[%swap3A_59, %swap3A_60], %swap3A_63 {strides = array<i32>} : memref<16x16xf32, #tpu.memory_space<vmem>>, vector<1x16xf32>,
    %get3A_64 = arith.constant 2 : i32
    %get3A_65 = arith.index_cast %get3A_64 : i32 to index
    %get3A_66 = arith.constant 0 : index
    %get3A_67 = tpu.vector_load %arg16[%get3A_65, %get3A_66] {strides = array<i32>} : memref<16x16xf32, #tpu.memory_space<vmem>>, vector<1x16xf32>,
    %get3A_68 = vector.shape_cast %get3A_67 : vector<1x16xf32> to vector<16xf32>
    %get3A_69 = arith.constant 2 : i32
    %get3A_70 = arith.index_cast %get3A_69 : i32 to index
    %get3A_71 = arith.constant 0 : index
    %get3A_72 = tpu.vector_load %arg15[%get3A_70, %get3A_71] {strides = array<i32>} : memref<16x16xf32, #tpu.memory_space<vmem>>, vector<1x16xf32>,
    %get3A_73 = vector.shape_cast %get3A_72 : vector<1x16xf32> to vector<16xf32>
    %add3A_74 = arith.addf %get3A_68, %get3A_73 : vector<16xf32>
    %swap3A_75 = arith.constant 2 : i32
    %swap3A_76 = arith.index_cast %swap3A_75 : i32 to index
    %swap3A_77 = arith.constant 0 : index
    %swap3A_78 = tpu.vector_load %arg17[%swap3A_76, %swap3A_77] {strides = array<i32>} : memref<16x16xf32, #tpu.memory_space<vmem>>, vector<1x16xf32>,
    %swap3A_79 = vector.shape_cast %swap3A_78 : vector<1x16xf32> to vector<16xf32>
    %swap3A_80 = vector.shape_cast %add3A_74 : vector<16xf32> to vector<1x16xf32>
    tpu.vector_store %arg17[%swap3A_76, %swap3A_77], %swap3A_80 {strides = array<i32>} : memref<16x16xf32, #tpu.memory_space<vmem>>, vector<1x16xf32>,
    %sub3A_81 = arith.subf %get3A_68, %get3A_73 : vector<16xf32>
    %swap3A_82 = arith.constant 2 : i32
    %swap3A_83 = arith.index_cast %swap3A_82 : i32 to index
    %swap3A_84 = arith.constant 0 : index
    %swap3A_85 = tpu.vector_load %arg18[%swap3A_83, %swap3A_84] {strides = array<i32>} : memref<16x16xf32, #tpu.memory_space<vmem>>, vector<1x16xf32>,
    %swap3A_86 = vector.shape_cast %swap3A_85 : vector<1x16xf32> to vector<16xf32>
    %swap3A_87 = vector.shape_cast %sub3A_81 : vector<16xf32> to vector<1x16xf32>
    tpu.vector_store %arg18[%swap3A_83, %swap3A_84], %swap3A_87 {strides = array<i32>} : memref<16x16xf32, #tpu.memory_space<vmem>>, vector<1x16xf32>,
    %get3A_88 = arith.constant 3 : i32
    %get3A_89 = arith.index_cast %get3A_88 : i32 to index
    %get3A_90 = arith.constant 0 : index
    %get3A_91 = tpu.vector_load %arg16[%get3A_89, %get3A_90] {strides = array<i32>} : memref<16x16xf32, #tpu.memory_space<vmem>>, vector<1x16xf32>,
    %get3A_92 = vector.shape_cast %get3A_91 : vector<1x16xf32> to vector<16xf32>
    %get3A_93 = arith.constant 3 : i32
    %get3A_94 = arith.index_cast %get3A_93 : i32 to index
    %get3A_95 = arith.constant 0 : index
    %get3A_96 = tpu.vector_load %arg15[%get3A_94, %get3A_95] {strides = array<i32>} : memref<16x16xf32, #tpu.memory_space<vmem>>, vector<1x16xf32>,
    %get3A_97 = vector.shape_cast %get3A_96 : vector<1x16xf32> to vector<16xf32>
    %add3A_98 = arith.addf %get3A_92, %get3A_97 : vector<16xf32>
    %swap3A_99 = arith.constant 3 : i32
    %swap3A_100 = arith.index_cast %swap3A_99 : i32 to index
    %swap3A_101 = arith.constant 0 : index
    %swap3A_102 = tpu.vector_load %arg17[%swap3A_100, %swap3A_101] {strides = array<i32>} : memref<16x16xf32, #tpu.memory_space<vmem>>, vector<1x16xf32>,
    %swap3A_103 = vector.shape_cast %swap3A_102 : vector<1x16xf32> to vector<16xf32>
    %swap3A_104 = vector.shape_cast %add3A_98 : vector<16xf32> to vector<1x16xf32>
    tpu.vector_store %arg17[%swap3A_100, %swap3A_101], %swap3A_104 {strides = array<i32>} : memref<16x16xf32, #tpu.memory_space<vmem>>, vector<1x16xf32>,
    %sub3A_105 = arith.subf %get3A_92, %get3A_97 : vector<16xf32>
    %swap3A_106 = arith.constant 3 : i32
    %swap3A_107 = arith.index_cast %swap3A_106 : i32 to index
    %swap3A_108 = arith.constant 0 : index
    %swap3A_109 = tpu.vector_load %arg18[%swap3A_107, %swap3A_108] {strides = array<i32>} : memref<16x16xf32, #tpu.memory_space<vmem>>, vector<1x16xf32>,
    %swap3A_110 = vector.shape_cast %swap3A_109 : vector<1x16xf32> to vector<16xf32>
    %swap3A_111 = vector.shape_cast %sub3A_105 : vector<16xf32> to vector<1x16xf32>
    tpu.vector_store %arg18[%swap3A_107, %swap3A_108], %swap3A_111 {strides = array<i32>} : memref<16x16xf32, #tpu.memory_space<vmem>>, vector<1x16xf32>,
    %get3A_112 = arith.constant 4 : i32
    %get3A_113 = arith.index_cast %get3A_112 : i32 to index
    %get3A_114 = arith.constant 0 : index
    %get3A_115 = tpu.vector_load %arg16[%get3A_113, %get3A_114] {strides = array<i32>} : memref<16x16xf32, #tpu.memory_space<vmem>>, vector<1x16xf32>,
    %get3A_116 = vector.shape_cast %get3A_115 : vector<1x16xf32> to vector<16xf32>
    %get3A_117 = arith.constant 4 : i32
    %get3A_118 = arith.index_cast %get3A_117 : i32 to index
    %get3A_119 = arith.constant 0 : index
    %get3A_120 = tpu.vector_load %arg15[%get3A_118, %get3A_119] {strides = array<i32>} : memref<16x16xf32, #tpu.memory_space<vmem>>, vector<1x16xf32>,
    %get3A_121 = vector.shape_cast %get3A_120 : vector<1x16xf32> to vector<16xf32>
    %add3A_122 = arith.addf %get3A_116, %get3A_121 : vector<16xf32>
    %swap3A_123 = arith.constant 4 : i32
    %swap3A_124 = arith.index_cast %swap3A_123 : i32 to index
    %swap3A_125 = arith.constant 0 : index
    %swap3A_126 = tpu.vector_load %arg17[%swap3A_124, %swap3A_125] {strides = array<i32>} : memref<16x16xf32, #tpu.memory_space<vmem>>, vector<1x16xf32>,
    %swap3A_127 = vector.shape_cast %swap3A_126 : vector<1x16xf32> to vector<16xf32>
    %swap3A_128 = vector.shape_cast %add3A_122 : vector<16xf32> to vector<1x16xf32>
    tpu.vector_store %arg17[%swap3A_124, %swap3A_125], %swap3A_128 {strides = array<i32>} : memref<16x16xf32, #tpu.memory_space<vmem>>, vector<1x16xf32>,
    %sub3A_129 = arith.subf %get3A_116, %get3A_121 : vector<16xf32>
    %swap3A_130 = arith.constant 4 : i32
    %swap3A_131 = arith.index_cast %swap3A_130 : i32 to index
    %swap3A_132 = arith.constant 0 : index
    %swap3A_133 = tpu.vector_load %arg18[%swap3A_131, %swap3A_132] {strides = array<i32>} : memref<16x16xf32, #tpu.memory_space<vmem>>, vector<1x16xf32>,
    %swap3A_134 = vector.shape_cast %swap3A_133 : vector<1x16xf32> to vector<16xf32>
    %swap3A_135 = vector.shape_cast %sub3A_129 : vector<16xf32> to vector<1x16xf32>
    tpu.vector_store %arg18[%swap3A_131, %swap3A_132], %swap3A_135 {strides = array<i32>} : memref<16x16xf32, #tpu.memory_space<vmem>>, vector<1x16xf32>,
    %get3A_136 = arith.constant 5 : i32
    %get3A_137 = arith.index_cast %get3A_136 : i32 to index
    %get3A_138 = arith.constant 0 : index
    %get3A_139 = tpu.vector_load %arg16[%get3A_137, %get3A_138] {strides = array<i32>} : memref<16x16xf32, #tpu.memory_space<vmem>>, vector<1x16xf32>,
    %get3A_140 = vector.shape_cast %get3A_139 : vector<1x16xf32> to vector<16xf32>
    %get3A_141 = arith.constant 5 : i32
    %get3A_142 = arith.index_cast %get3A_141 : i32 to index
    %get3A_143 = arith.constant 0 : index
    %get3A_144 = tpu.vector_load %arg15[%get3A_142, %get3A_143] {strides = array<i32>} : memref<16x16xf32, #tpu.memory_space<vmem>>, vector<1x16xf32>,
    %get3A_145 = vector.shape_cast %get3A_144 : vector<1x16xf32> to vector<16xf32>
    %add3A_146 = arith.addf %get3A_140, %get3A_145 : vector<16xf32>
    %swap3A_147 = arith.constant 5 : i32
    %swap3A_148 = arith.index_cast %swap3A_147 : i32 to index
    %swap3A_149 = arith.constant 0 : index
    %swap3A_150 = tpu.vector_load %arg17[%swap3A_148, %swap3A_149] {strides = array<i32>} : memref<16x16xf32, #tpu.memory_space<vmem>>, vector<1x16xf32>,
    %swap3A_151 = vector.shape_cast %swap3A_150 : vector<1x16xf32> to vector<16xf32>
    %swap3A_152 = vector.shape_cast %add3A_146 : vector<16xf32> to vector<1x16xf32>
    tpu.vector_store %arg17[%swap3A_148, %swap3A_149], %swap3A_152 {strides = array<i32>} : memref<16x16xf32, #tpu.memory_space<vmem>>, vector<1x16xf32>,
    %sub3A_153 = arith.subf %get3A_140, %get3A_145 : vector<16xf32>
    %swap3A_154 = arith.constant 5 : i32
    %swap3A_155 = arith.index_cast %swap3A_154 : i32 to index
    %swap3A_156 = arith.constant 0 : index
    %swap3A_157 = tpu.vector_load %arg18[%swap3A_155, %swap3A_156] {strides = array<i32>} : memref<16x16xf32, #tpu.memory_space<vmem>>, vector<1x16xf32>,
    %swap3A_158 = vector.shape_cast %swap3A_157 : vector<1x16xf32> to vector<16xf32>
    %swap3A_159 = vector.shape_cast %sub3A_153 : vector<16xf32> to vector<1x16xf32>
    tpu.vector_store %arg18[%swap3A_155, %swap3A_156], %swap3A_159 {strides = array<i32>} : memref<16x16xf32, #tpu.memory_space<vmem>>, vector<1x16xf32>,
    %get3A_160 = arith.constant 6 : i32
    %get3A_161 = arith.index_cast %get3A_160 : i32 to index
    %get3A_162 = arith.constant 0 : index
    %get3A_163 = tpu.vector_load %arg16[%get3A_161, %get3A_162] {strides = array<i32>} : memref<16x16xf32, #tpu.memory_space<vmem>>, vector<1x16xf32>,
    %get3A_164 = vector.shape_cast %get3A_163 : vector<1x16xf32> to vector<16xf32>
    %get3A_165 = arith.constant 6 : i32
    %get3A_166 = arith.index_cast %get3A_165 : i32 to index
    %get3A_167 = arith.constant 0 : index
    %get3A_168 = tpu.vector_load %arg15[%get3A_166, %get3A_167] {strides = array<i32>} : memref<16x16xf32, #tpu.memory_space<vmem>>, vector<1x16xf32>,
    %get3A_169 = vector.shape_cast %get3A_168 : vector<1x16xf32> to vector<16xf32>
    %add3A_170 = arith.addf %get3A_164, %get3A_169 : vector<16xf32>
    %swap3A_171 = arith.constant 6 : i32
    %swap3A_172 = arith.index_cast %swap3A_171 : i32 to index
    %swap3A_173 = arith.constant 0 : index
    %swap3A_174 = tpu.vector_load %arg17[%swap3A_172, %swap3A_173] {strides = array<i32>} : memref<16x16xf32, #tpu.memory_space<vmem>>, vector<1x16xf32>,
    %swap3A_175 = vector.shape_cast %swap3A_174 : vector<1x16xf32> to vector<16xf32>
    %swap3A_176 = vector.shape_cast %add3A_170 : vector<16xf32> to vector<1x16xf32>
    tpu.vector_store %arg17[%swap3A_172, %swap3A_173], %swap3A_176 {strides = array<i32>} : memref<16x16xf32, #tpu.memory_space<vmem>>, vector<1x16xf32>,
    %sub3A_177 = arith.subf %get3A_164, %get3A_169 : vector<16xf32>
    %swap3A_178 = arith.constant 6 : i32
    %swap3A_179 = arith.index_cast %swap3A_178 : i32 to index
    %swap3A_180 = arith.constant 0 : index
    %swap3A_181 = tpu.vector_load %arg18[%swap3A_179, %swap3A_180] {strides = array<i32>} : memref<16x16xf32, #tpu.memory_space<vmem>>, vector<1x16xf32>,
    %swap3A_182 = vector.shape_cast %swap3A_181 : vector<1x16xf32> to vector<16xf32>
    %swap3A_183 = vector.shape_cast %sub3A_177 : vector<16xf32> to vector<1x16xf32>
    tpu.vector_store %arg18[%swap3A_179, %swap3A_180], %swap3A_183 {strides = array<i32>} : memref<16x16xf32, #tpu.memory_space<vmem>>, vector<1x16xf32>,
    %get3A_184 = arith.constant 7 : i32
    %get3A_185 = arith.index_cast %get3A_184 : i32 to index
    %get3A_186 = arith.constant 0 : index
    %get3A_187 = tpu.vector_load %arg16[%get3A_185, %get3A_186] {strides = array<i32>} : memref<16x16xf32, #tpu.memory_space<vmem>>, vector<1x16xf32>,
    %get3A_188 = vector.shape_cast %get3A_187 : vector<1x16xf32> to vector<16xf32>
    %get3A_189 = arith.constant 7 : i32
    %get3A_190 = arith.index_cast %get3A_189 : i32 to index
    %get3A_191 = arith.constant 0 : index
    %get3A_192 = tpu.vector_load %arg15[%get3A_190, %get3A_191] {strides = array<i32>} : memref<16x16xf32, #tpu.memory_space<vmem>>, vector<1x16xf32>,
    %get3A_193 = vector.shape_cast %get3A_192 : vector<1x16xf32> to vector<16xf32>
    %add3A_194 = arith.addf %get3A_188, %get3A_193 : vector<16xf32>
    %swap3A_195 = arith.constant 7 : i32
    %swap3A_196 = arith.index_cast %swap3A_195 : i32 to index
    %swap3A_197 = arith.constant 0 : index
    %swap3A_198 = tpu.vector_load %arg17[%swap3A_196, %swap3A_197] {strides = array<i32>} : memref<16x16xf32, #tpu.memory_space<vmem>>, vector<1x16xf32>,
    %swap3A_199 = vector.shape_cast %swap3A_198 : vector<1x16xf32> to vector<16xf32>
    %swap3A_200 = vector.shape_cast %add3A_194 : vector<16xf32> to vector<1x16xf32>
    tpu.vector_store %arg17[%swap3A_196, %swap3A_197], %swap3A_200 {strides = array<i32>} : memref<16x16xf32, #tpu.memory_space<vmem>>, vector<1x16xf32>,
    %sub3A_201 = arith.subf %get3A_188, %get3A_193 : vector<16xf32>
    %swap3A_202 = arith.constant 7 : i32
    %swap3A_203 = arith.index_cast %swap3A_202 : i32 to index
    %swap3A_204 = arith.constant 0 : index
    %swap3A_205 = tpu.vector_load %arg18[%swap3A_203, %swap3A_204] {strides = array<i32>} : memref<16x16xf32, #tpu.memory_space<vmem>>, vector<1x16xf32>,
    %swap3A_206 = vector.shape_cast %swap3A_205 : vector<1x16xf32> to vector<16xf32>
    %swap3A_207 = vector.shape_cast %sub3A_201 : vector<16xf32> to vector<1x16xf32>
    tpu.vector_store %arg18[%swap3A_203, %swap3A_204], %swap3A_207 {strides = array<i32>} : memref<16x16xf32, #tpu.memory_space<vmem>>, vector<1x16xf32>,
    %get3A_208 = arith.constant 8 : i32
    %get3A_209 = arith.index_cast %get3A_208 : i32 to index
    %get3A_210 = arith.constant 0 : index
    %get3A_211 = tpu.vector_load %arg16[%get3A_209, %get3A_210] {strides = array<i32>} : memref<16x16xf32, #tpu.memory_space<vmem>>, vector<1x16xf32>,
    %get3A_212 = vector.shape_cast %get3A_211 : vector<1x16xf32> to vector<16xf32>
    %get3A_213 = arith.constant 8 : i32
    %get3A_214 = arith.index_cast %get3A_213 : i32 to index
    %get3A_215 = arith.constant 0 : index
    %get3A_216 = tpu.vector_load %arg15[%get3A_214, %get3A_215] {strides = array<i32>} : memref<16x16xf32, #tpu.memory_space<vmem>>, vector<1x16xf32>,
    %get3A_217 = vector.shape_cast %get3A_216 : vector<1x16xf32> to vector<16xf32>
    %add3A_218 = arith.addf %get3A_212, %get3A_217 : vector<16xf32>
    %swap3A_219 = arith.constant 8 : i32
    %swap3A_220 = arith.index_cast %swap3A_219 : i32 to index
    %swap3A_221 = arith.constant 0 : index
    %swap3A_222 = tpu.vector_load %arg17[%swap3A_220, %swap3A_221] {strides = array<i32>} : memref<16x16xf32, #tpu.memory_space<vmem>>, vector<1x16xf32>,
    %swap3A_223 = vector.shape_cast %swap3A_222 : vector<1x16xf32> to vector<16xf32>
    %swap3A_224 = vector.shape_cast %add3A_218 : vector<16xf32> to vector<1x16xf32>
    tpu.vector_store %arg17[%swap3A_220, %swap3A_221], %swap3A_224 {strides = array<i32>} : memref<16x16xf32, #tpu.memory_space<vmem>>, vector<1x16xf32>,
    %sub3A_225 = arith.subf %get3A_212, %get3A_217 : vector<16xf32>
    %swap3A_226 = arith.constant 8 : i32
    %swap3A_227 = arith.index_cast %swap3A_226 : i32 to index
    %swap3A_228 = arith.constant 0 : index
    %swap3A_229 = tpu.vector_load %arg18[%swap3A_227, %swap3A_228] {strides = array<i32>} : memref<16x16xf32, #tpu.memory_space<vmem>>, vector<1x16xf32>,
    %swap3A_230 = vector.shape_cast %swap3A_229 : vector<1x16xf32> to vector<16xf32>
    %swap3A_231 = vector.shape_cast %sub3A_225 : vector<16xf32> to vector<1x16xf32>
    tpu.vector_store %arg18[%swap3A_227, %swap3A_228], %swap3A_231 {strides = array<i32>} : memref<16x16xf32, #tpu.memory_space<vmem>>, vector<1x16xf32>,
    %get3A_232 = arith.constant 9 : i32
    %get3A_233 = arith.index_cast %get3A_232 : i32 to index
    %get3A_234 = arith.constant 0 : index
    %get3A_235 = tpu.vector_load %arg16[%get3A_233, %get3A_234] {strides = array<i32>} : memref<16x16xf32, #tpu.memory_space<vmem>>, vector<1x16xf32>,
    %get3A_236 = vector.shape_cast %get3A_235 : vector<1x16xf32> to vector<16xf32>
    %get3A_237 = arith.constant 9 : i32
    %get3A_238 = arith.index_cast %get3A_237 : i32 to index
    %get3A_239 = arith.constant 0 : index
    %get3A_240 = tpu.vector_load %arg15[%get3A_238, %get3A_239] {strides = array<i32>} : memref<16x16xf32, #tpu.memory_space<vmem>>, vector<1x16xf32>,
    %get3A_241 = vector.shape_cast %get3A_240 : vector<1x16xf32> to vector<16xf32>
    %add3A_242 = arith.addf %get3A_236, %get3A_241 : vector<16xf32>
    %swap3A_243 = arith.constant 9 : i32
    %swap3A_244 = arith.index_cast %swap3A_243 : i32 to index
    %swap3A_245 = arith.constant 0 : index
    %swap3A_246 = tpu.vector_load %arg17[%swap3A_244, %swap3A_245] {strides = array<i32>} : memref<16x16xf32, #tpu.memory_space<vmem>>, vector<1x16xf32>,
    %swap3A_247 = vector.shape_cast %swap3A_246 : vector<1x16xf32> to vector<16xf32>
    %swap3A_248 = vector.shape_cast %add3A_242 : vector<16xf32> to vector<1x16xf32>
    tpu.vector_store %arg17[%swap3A_244, %swap3A_245], %swap3A_248 {strides = array<i32>} : memref<16x16xf32, #tpu.memory_space<vmem>>, vector<1x16xf32>,
    %sub3A_249 = arith.subf %get3A_236, %get3A_241 : vector<16xf32>
    %swap3A_250 = arith.constant 9 : i32
    %swap3A_251 = arith.index_cast %swap3A_250 : i32 to index
    %swap3A_252 = arith.constant 0 : index
    %swap3A_253 = tpu.vector_load %arg18[%swap3A_251, %swap3A_252] {strides = array<i32>} : memref<16x16xf32, #tpu.memory_space<vmem>>, vector<1x16xf32>,
    %swap3A_254 = vector.shape_cast %swap3A_253 : vector<1x16xf32> to vector<16xf32>
    %swap3A_255 = vector.shape_cast %sub3A_249 : vector<16xf32> to vector<1x16xf32>
    tpu.vector_store %arg18[%swap3A_251, %swap3A_252], %swap3A_255 {strides = array<i32>} : memref<16x16xf32, #tpu.memory_space<vmem>>, vector<1x16xf32>,
    %get3A_256 = arith.constant 10 : i32
    %get3A_257 = arith.index_cast %get3A_256 : i32 to index
    %get3A_258 = arith.constant 0 : index
    %get3A_259 = tpu.vector_load %arg16[%get3A_257, %get3A_258] {strides = array<i32>} : memref<16x16xf32, #tpu.memory_space<vmem>>, vector<1x16xf32>,
    %get3A_260 = vector.shape_cast %get3A_259 : vector<1x16xf32> to vector<16xf32>
    %get3A_261 = arith.constant 10 : i32
    %get3A_262 = arith.index_cast %get3A_261 : i32 to index
    %get3A_263 = arith.constant 0 : index
    %get3A_264 = tpu.vector_load %arg15[%get3A_262, %get3A_263] {strides = array<i32>} : memref<16x16xf32, #tpu.memory_space<vmem>>, vector<1x16xf32>,
    %get3A_265 = vector.shape_cast %get3A_264 : vector<1x16xf32> to vector<16xf32>
    %add3A_266 = arith.addf %get3A_260, %get3A_265 : vector<16xf32>
    %swap3A_267 = arith.constant 10 : i32
    %swap3A_268 = arith.index_cast %swap3A_267 : i32 to index
    %swap3A_269 = arith.constant 0 : index
    %swap3A_270 = tpu.vector_load %arg17[%swap3A_268, %swap3A_269] {strides = array<i32>} : memref<16x16xf32, #tpu.memory_space<vmem>>, vector<1x16xf32>,
    %swap3A_271 = vector.shape_cast %swap3A_270 : vector<1x16xf32> to vector<16xf32>
    %swap3A_272 = vector.shape_cast %add3A_266 : vector<16xf32> to vector<1x16xf32>
    tpu.vector_store %arg17[%swap3A_268, %swap3A_269], %swap3A_272 {strides = array<i32>} : memref<16x16xf32, #tpu.memory_space<vmem>>, vector<1x16xf32>,
    %sub3A_273 = arith.subf %get3A_260, %get3A_265 : vector<16xf32>
    %swap3A_274 = arith.constant 10 : i32
    %swap3A_275 = arith.index_cast %swap3A_274 : i32 to index
    %swap3A_276 = arith.constant 0 : index
    %swap3A_277 = tpu.vector_load %arg18[%swap3A_275, %swap3A_276] {strides = array<i32>} : memref<16x16xf32, #tpu.memory_space<vmem>>, vector<1x16xf32>,
    %swap3A_278 = vector.shape_cast %swap3A_277 : vector<1x16xf32> to vector<16xf32>
    %swap3A_279 = vector.shape_cast %sub3A_273 : vector<16xf32> to vector<1x16xf32>
    tpu.vector_store %arg18[%swap3A_275, %swap3A_276], %swap3A_279 {strides = array<i32>} : memref<16x16xf32, #tpu.memory_space<vmem>>, vector<1x16xf32>,
    %get3A_280 = arith.constant 11 : i32
    %get3A_281 = arith.index_cast %get3A_280 : i32 to index
    %get3A_282 = arith.constant 0 : index
    %get3A_283 = tpu.vector_load %arg16[%get3A_281, %get3A_282] {strides = array<i32>} : memref<16x16xf32, #tpu.memory_space<vmem>>, vector<1x16xf32>,
    %get3A_284 = vector.shape_cast %get3A_283 : vector<1x16xf32> to vector<16xf32>
    %get3A_285 = arith.constant 11 : i32
    %get3A_286 = arith.index_cast %get3A_285 : i32 to index
    %get3A_287 = arith.constant 0 : index
    %get3A_288 = tpu.vector_load %arg15[%get3A_286, %get3A_287] {strides = array<i32>} : memref<16x16xf32, #tpu.memory_space<vmem>>, vector<1x16xf32>,
    %get3A_289 = vector.shape_cast %get3A_288 : vector<1x16xf32> to vector<16xf32>
    %add3A_290 = arith.addf %get3A_284, %get3A_289 : vector<16xf32>
    %swap3A_291 = arith.constant 11 : i32
    %swap3A_292 = arith.index_cast %swap3A_291 : i32 to index
    %swap3A_293 = arith.constant 0 : index
    %swap3A_294 = tpu.vector_load %arg17[%swap3A_292, %swap3A_293] {strides = array<i32>} : memref<16x16xf32, #tpu.memory_space<vmem>>, vector<1x16xf32>,
    %swap3A_295 = vector.shape_cast %swap3A_294 : vector<1x16xf32> to vector<16xf32>
    %swap3A_296 = vector.shape_cast %add3A_290 : vector<16xf32> to vector<1x16xf32>
    tpu.vector_store %arg17[%swap3A_292, %swap3A_293], %swap3A_296 {strides = array<i32>} : memref<16x16xf32, #tpu.memory_space<vmem>>, vector<1x16xf32>,
    %sub3A_297 = arith.subf %get3A_284, %get3A_289 : vector<16xf32>
    %swap3A_298 = arith.constant 11 : i32
    %swap3A_299 = arith.index_cast %swap3A_298 : i32 to index
    %swap3A_300 = arith.constant 0 : index
    %swap3A_301 = tpu.vector_load %arg18[%swap3A_299, %swap3A_300] {strides = array<i32>} : memref<16x16xf32, #tpu.memory_space<vmem>>, vector<1x16xf32>,
    %swap3A_302 = vector.shape_cast %swap3A_301 : vector<1x16xf32> to vector<16xf32>
    %swap3A_303 = vector.shape_cast %sub3A_297 : vector<16xf32> to vector<1x16xf32>
    tpu.vector_store %arg18[%swap3A_299, %swap3A_300], %swap3A_303 {strides = array<i32>} : memref<16x16xf32, #tpu.memory_space<vmem>>, vector<1x16xf32>,
    %get3A_304 = arith.constant 12 : i32
    %get3A_305 = arith.index_cast %get3A_304 : i32 to index
    %get3A_306 = arith.constant 0 : index
    %get3A_307 = tpu.vector_load %arg16[%get3A_305, %get3A_306] {strides = array<i32>} : memref<16x16xf32, #tpu.memory_space<vmem>>, vector<1x16xf32>,
    %get3A_308 = vector.shape_cast %get3A_307 : vector<1x16xf32> to vector<16xf32>
    %get3A_309 = arith.constant 12 : i32
    %get3A_310 = arith.index_cast %get3A_309 : i32 to index
    %get3A_311 = arith.constant 0 : index
    %get3A_312 = tpu.vector_load %arg15[%get3A_310, %get3A_311] {strides = array<i32>} : memref<16x16xf32, #tpu.memory_space<vmem>>, vector<1x16xf32>,
    %get3A_313 = vector.shape_cast %get3A_312 : vector<1x16xf32> to vector<16xf32>
    %add3A_314 = arith.addf %get3A_308, %get3A_313 : vector<16xf32>
    %swap3A_315 = arith.constant 12 : i32
    %swap3A_316 = arith.index_cast %swap3A_315 : i32 to index
    %swap3A_317 = arith.constant 0 : index
    %swap3A_318 = tpu.vector_load %arg17[%swap3A_316, %swap3A_317] {strides = array<i32>} : memref<16x16xf32, #tpu.memory_space<vmem>>, vector<1x16xf32>,
    %swap3A_319 = vector.shape_cast %swap3A_318 : vector<1x16xf32> to vector<16xf32>
    %swap3A_320 = vector.shape_cast %add3A_314 : vector<16xf32> to vector<1x16xf32>
    tpu.vector_store %arg17[%swap3A_316, %swap3A_317], %swap3A_320 {strides = array<i32>} : memref<16x16xf32, #tpu.memory_space<vmem>>, vector<1x16xf32>,
    %sub3A_321 = arith.subf %get3A_308, %get3A_313 : vector<16xf32>
    %swap3A_322 = arith.constant 12 : i32
    %swap3A_323 = arith.index_cast %swap3A_322 : i32 to index
    %swap3A_324 = arith.constant 0 : index
    %swap3A_325 = tpu.vector_load %arg18[%swap3A_323, %swap3A_324] {strides = array<i32>} : memref<16x16xf32, #tpu.memory_space<vmem>>, vector<1x16xf32>,
    %swap3A_326 = vector.shape_cast %swap3A_325 : vector<1x16xf32> to vector<16xf32>
    %swap3A_327 = vector.shape_cast %sub3A_321 : vector<16xf32> to vector<1x16xf32>
    tpu.vector_store %arg18[%swap3A_323, %swap3A_324], %swap3A_327 {strides = array<i32>} : memref<16x16xf32, #tpu.memory_space<vmem>>, vector<1x16xf32>,
    %get3A_328 = arith.constant 13 : i32
    %get3A_329 = arith.index_cast %get3A_328 : i32 to index
    %get3A_330 = arith.constant 0 : index
    %get3A_331 = tpu.vector_load %arg16[%get3A_329, %get3A_330] {strides = array<i32>} : memref<16x16xf32, #tpu.memory_space<vmem>>, vector<1x16xf32>,
    %get3A_332 = vector.shape_cast %get3A_331 : vector<1x16xf32> to vector<16xf32>
    %get3A_333 = arith.constant 13 : i32
    %get3A_334 = arith.index_cast %get3A_333 : i32 to index
    %get3A_335 = arith.constant 0 : index
    %get3A_336 = tpu.vector_load %arg15[%get3A_334, %get3A_335] {strides = array<i32>} : memref<16x16xf32, #tpu.memory_space<vmem>>, vector<1x16xf32>,
    %get3A_337 = vector.shape_cast %get3A_336 : vector<1x16xf32> to vector<16xf32>
    %add3A_338 = arith.addf %get3A_332, %get3A_337 : vector<16xf32>
    %swap3A_339 = arith.constant 13 : i32
    %swap3A_340 = arith.index_cast %swap3A_339 : i32 to index
    %swap3A_341 = arith.constant 0 : index
    %swap3A_342 = tpu.vector_load %arg17[%swap3A_340, %swap3A_341] {strides = array<i32>} : memref<16x16xf32, #tpu.memory_space<vmem>>, vector<1x16xf32>,
    %swap3A_343 = vector.shape_cast %swap3A_342 : vector<1x16xf32> to vector<16xf32>
    %swap3A_344 = vector.shape_cast %add3A_338 : vector<16xf32> to vector<1x16xf32>
    tpu.vector_store %arg17[%swap3A_340, %swap3A_341], %swap3A_344 {strides = array<i32>} : memref<16x16xf32, #tpu.memory_space<vmem>>, vector<1x16xf32>,
    %sub3A_345 = arith.subf %get3A_332, %get3A_337 : vector<16xf32>
    %swap3A_346 = arith.constant 13 : i32
    %swap3A_347 = arith.index_cast %swap3A_346 : i32 to index
    %swap3A_348 = arith.constant 0 : index
    %swap3A_349 = tpu.vector_load %arg18[%swap3A_347, %swap3A_348] {strides = array<i32>} : memref<16x16xf32, #tpu.memory_space<vmem>>, vector<1x16xf32>,
    %swap3A_350 = vector.shape_cast %swap3A_349 : vector<1x16xf32> to vector<16xf32>
    %swap3A_351 = vector.shape_cast %sub3A_345 : vector<16xf32> to vector<1x16xf32>
    tpu.vector_store %arg18[%swap3A_347, %swap3A_348], %swap3A_351 {strides = array<i32>} : memref<16x16xf32, #tpu.memory_space<vmem>>, vector<1x16xf32>,
    %get3A_352 = arith.constant 14 : i32
    %get3A_353 = arith.index_cast %get3A_352 : i32 to index
    %get3A_354 = arith.constant 0 : index
    %get3A_355 = tpu.vector_load %arg16[%get3A_353, %get3A_354] {strides = array<i32>} : memref<16x16xf32, #tpu.memory_space<vmem>>, vector<1x16xf32>,
    %get3A_356 = vector.shape_cast %get3A_355 : vector<1x16xf32> to vector<16xf32>
    %get3A_357 = arith.constant 14 : i32
    %get3A_358 = arith.index_cast %get3A_357 : i32 to index
    %get3A_359 = arith.constant 0 : index
    %get3A_360 = tpu.vector_load %arg15[%get3A_358, %get3A_359] {strides = array<i32>} : memref<16x16xf32, #tpu.memory_space<vmem>>, vector<1x16xf32>,
    %get3A_361 = vector.shape_cast %get3A_360 : vector<1x16xf32> to vector<16xf32>
    %add3A_362 = arith.addf %get3A_356, %get3A_361 : vector<16xf32>
    %swap3A_363 = arith.constant 14 : i32
    %swap3A_364 = arith.index_cast %swap3A_363 : i32 to index
    %swap3A_365 = arith.constant 0 : index
    %swap3A_366 = tpu.vector_load %arg17[%swap3A_364, %swap3A_365] {strides = array<i32>} : memref<16x16xf32, #tpu.memory_space<vmem>>, vector<1x16xf32>,
    %swap3A_367 = vector.shape_cast %swap3A_366 : vector<1x16xf32> to vector<16xf32>
    %swap3A_368 = vector.shape_cast %add3A_362 : vector<16xf32> to vector<1x16xf32>
    tpu.vector_store %arg17[%swap3A_364, %swap3A_365], %swap3A_368 {strides = array<i32>} : memref<16x16xf32, #tpu.memory_space<vmem>>, vector<1x16xf32>,
    %sub3A_369 = arith.subf %get3A_356, %get3A_361 : vector<16xf32>
    %swap3A_370 = arith.constant 14 : i32
    %swap3A_371 = arith.index_cast %swap3A_370 : i32 to index
    %swap3A_372 = arith.constant 0 : index
    %swap3A_373 = tpu.vector_load %arg18[%swap3A_371, %swap3A_372] {strides = array<i32>} : memref<16x16xf32, #tpu.memory_space<vmem>>, vector<1x16xf32>,
    %swap3A_374 = vector.shape_cast %swap3A_373 : vector<1x16xf32> to vector<16xf32>
    %swap3A_375 = vector.shape_cast %sub3A_369 : vector<16xf32> to vector<1x16xf32>
    tpu.vector_store %arg18[%swap3A_371, %swap3A_372], %swap3A_375 {strides = array<i32>} : memref<16x16xf32, #tpu.memory_space<vmem>>, vector<1x16xf32>,
    %get3A_376 = arith.constant 15 : i32
    %get3A_377 = arith.index_cast %get3A_376 : i32 to index
    %get3A_378 = arith.constant 0 : index
    %get3A_379 = tpu.vector_load %arg16[%get3A_377, %get3A_378] {strides = array<i32>} : memref<16x16xf32, #tpu.memory_space<vmem>>, vector<1x16xf32>,
    %get3A_380 = vector.shape_cast %get3A_379 : vector<1x16xf32> to vector<16xf32>
    %get3A_381 = arith.constant 15 : i32
    %get3A_382 = arith.index_cast %get3A_381 : i32 to index
    %get3A_383 = arith.constant 0 : index
    %get3A_384 = tpu.vector_load %arg15[%get3A_382, %get3A_383] {strides = array<i32>} : memref<16x16xf32, #tpu.memory_space<vmem>>, vector<1x16xf32>,
    %get3A_385 = vector.shape_cast %get3A_384 : vector<1x16xf32> to vector<16xf32>
    %add3A_386 = arith.addf %get3A_380, %get3A_385 : vector<16xf32>
    %swap3A_387 = arith.constant 15 : i32
    %swap3A_388 = arith.index_cast %swap3A_387 : i32 to index
    %swap3A_389 = arith.constant 0 : index
    %swap3A_390 = tpu.vector_load %arg17[%swap3A_388, %swap3A_389] {strides = array<i32>} : memref<16x16xf32, #tpu.memory_space<vmem>>, vector<1x16xf32>,
    %swap3A_391 = vector.shape_cast %swap3A_390 : vector<1x16xf32> to vector<16xf32>
    %swap3A_392 = vector.shape_cast %add3A_386 : vector<16xf32> to vector<1x16xf32>
    tpu.vector_store %arg17[%swap3A_388, %swap3A_389], %swap3A_392 {strides = array<i32>} : memref<16x16xf32, #tpu.memory_space<vmem>>, vector<1x16xf32>,
    %sub3A_393 = arith.subf %get3A_380, %get3A_385 : vector<16xf32>
    %swap3A_394 = arith.constant 15 : i32
    %swap3A_395 = arith.index_cast %swap3A_394 : i32 to index
    %swap3A_396 = arith.constant 0 : index
    %swap3A_397 = tpu.vector_load %arg18[%swap3A_395, %swap3A_396] {strides = array<i32>} : memref<16x16xf32, #tpu.memory_space<vmem>>, vector<1x16xf32>,
    %swap3A_398 = vector.shape_cast %swap3A_397 : vector<1x16xf32> to vector<16xf32>
    %swap3A_399 = vector.shape_cast %sub3A_393 : vector<16xf32> to vector<1x16xf32>
    tpu.vector_store %arg18[%swap3A_395, %swap3A_396], %swap3A_399 {strides = array<i32>} : memref<16x16xf32, #tpu.memory_space<vmem>>, vector<1x16xf32>,
    "tpu.region"() ({
      %run_scoped3A = tpu.sem_alloc : memref<!tpu.dma_semaphore, #tpu.memory_space<semaphore_mem>>
      %dma_start3A_400 = arith.constant 0 : i32
      %dma_start3A_401 = tpu.memref_slice %arg8[%mul3A_2, %dma_start3A_400] : memref<512x16xf32, #tpu.memory_space<hbm>> -> memref<16x16xf32, #tpu.memory_space<hbm>>
      %dma_start3A_402 = arith.constant 0 : i32
      %dma_start3A_403 = tpu.memref_slice %arg8[%mul3A_2, %dma_start3A_402] : memref<512x16xf32, #tpu.memory_space<hbm>> -> memref<16x16xf32, #tpu.memory_space<hbm>>
      tpu.enqueue_dma source(%arg14 : memref<16x16xf32, #tpu.memory_space<vmem>>) target(%dma_start3A_403 : memref<16x16xf32, #tpu.memory_space<hbm>>) target_semaphore(%run_scoped3A : memref<!tpu.dma_semaphore, #tpu.memory_space<semaphore_mem>>)
      %dma_wait3A_404 = arith.constant 0 : i32
      %dma_wait3A_405 = tpu.memref_slice %arg8[%mul3A_2, %dma_wait3A_404] : memref<512x16xf32, #tpu.memory_space<hbm>> -> memref<16x16xf32, #tpu.memory_space<hbm>>
      %dma_wait3A_406 = arith.constant 0 : i32
      %dma_wait3A_407 = tpu.memref_slice %arg8[%mul3A_2, %dma_wait3A_406] : memref<512x16xf32, #tpu.memory_space<hbm>> -> memref<16x16xf32, #tpu.memory_space<hbm>>
      tpu.wait_dma2 semaphore(%run_scoped3A : memref<!tpu.dma_semaphore, #tpu.memory_space<semaphore_mem>>) src(%arg14 : memref<16x16xf32, #tpu.memory_space<vmem>>) dst(%dma_wait3A_407 : memref<16x16xf32, #tpu.memory_space<hbm>>)
      tpu.yield
    }) : () -> ()
    "tpu.region"() ({
      %run_scoped3A = tpu.sem_alloc : memref<!tpu.dma_semaphore, #tpu.memory_space<semaphore_mem>>
      %dma_start3A_400 = arith.constant 0 : i32
      %dma_start3A_401 = tpu.memref_slice %arg9[%mul3A_2, %dma_start3A_400] : memref<512x16xf32, #tpu.memory_space<hbm>> -> memref<16x16xf32, #tpu.memory_space<hbm>>
      %dma_start3A_402 = arith.constant 0 : i32
      %dma_start3A_403 = tpu.memref_slice %arg9[%mul3A_2, %dma_start3A_402] : memref<512x16xf32, #tpu.memory_space<hbm>> -> memref<16x16xf32, #tpu.memory_space<hbm>>
      tpu.enqueue_dma source(%arg15 : memref<16x16xf32, #tpu.memory_space<vmem>>) target(%dma_start3A_403 : memref<16x16xf32, #tpu.memory_space<hbm>>) target_semaphore(%run_scoped3A : memref<!tpu.dma_semaphore, #tpu.memory_space<semaphore_mem>>)
      %dma_wait3A_404 = arith.constant 0 : i32
      %dma_wait3A_405 = tpu.memref_slice %arg9[%mul3A_2, %dma_wait3A_404] : memref<512x16xf32, #tpu.memory_space<hbm>> -> memref<16x16xf32, #tpu.memory_space<hbm>>
      %dma_wait3A_406 = arith.constant 0 : i32
      %dma_wait3A_407 = tpu.memref_slice %arg9[%mul3A_2, %dma_wait3A_406] : memref<512x16xf32, #tpu.memory_space<hbm>> -> memref<16x16xf32, #tpu.memory_space<hbm>>
      tpu.wait_dma2 semaphore(%run_scoped3A : memref<!tpu.dma_semaphore, #tpu.memory_space<semaphore_mem>>) src(%arg15 : memref<16x16xf32, #tpu.memory_space<vmem>>) dst(%dma_wait3A_407 : memref<16x16xf32, #tpu.memory_space<hbm>>)
      tpu.yield
    }) : () -> ()
    "tpu.region"() ({
      %run_scoped3A = tpu.sem_alloc : memref<!tpu.dma_semaphore, #tpu.memory_space<semaphore_mem>>
      %dma_start3A_400 = arith.constant 0 : i32
      %dma_start3A_401 = tpu.memref_slice %arg10[%mul3A_2, %dma_start3A_400] : memref<512x16xf32, #tpu.memory_space<hbm>> -> memref<16x16xf32, #tpu.memory_space<hbm>>
      %dma_start3A_402 = arith.constant 0 : i32
      %dma_start3A_403 = tpu.memref_slice %arg10[%mul3A_2, %dma_start3A_402] : memref<512x16xf32, #tpu.memory_space<hbm>> -> memref<16x16xf32, #tpu.memory_space<hbm>>
      tpu.enqueue_dma source(%arg16 : memref<16x16xf32, #tpu.memory_space<vmem>>) target(%dma_start3A_403 : memref<16x16xf32, #tpu.memory_space<hbm>>) target_semaphore(%run_scoped3A : memref<!tpu.dma_semaphore, #tpu.memory_space<semaphore_mem>>)
      %dma_wait3A_404 = arith.constant 0 : i32
      %dma_wait3A_405 = tpu.memref_slice %arg10[%mul3A_2, %dma_wait3A_404] : memref<512x16xf32, #tpu.memory_space<hbm>> -> memref<16x16xf32, #tpu.memory_space<hbm>>
      %dma_wait3A_406 = arith.constant 0 : i32
      %dma_wait3A_407 = tpu.memref_slice %arg10[%mul3A_2, %dma_wait3A_406] : memref<512x16xf32, #tpu.memory_space<hbm>> -> memref<16x16xf32, #tpu.memory_space<hbm>>
      tpu.wait_dma2 semaphore(%run_scoped3A : memref<!tpu.dma_semaphore, #tpu.memory_space<semaphore_mem>>) src(%arg16 : memref<16x16xf32, #tpu.memory_space<vmem>>) dst(%dma_wait3A_407 : memref<16x16xf32, #tpu.memory_space<hbm>>)
      tpu.yield
    }) : () -> ()
    "tpu.region"() ({
      %run_scoped3A = tpu.sem_alloc : memref<!tpu.dma_semaphore, #tpu.memory_space<semaphore_mem>>
      %dma_start3A_400 = arith.constant 0 : i32
      %dma_start3A_401 = tpu.memref_slice %arg11[%mul3A_2, %dma_start3A_400] : memref<512x16xf32, #tpu.memory_space<hbm>> -> memref<16x16xf32, #tpu.memory_space<hbm>>
      %dma_start3A_402 = arith.constant 0 : i32
      %dma_start3A_403 = tpu.memref_slice %arg11[%mul3A_2, %dma_start3A_402] : memref<512x16xf32, #tpu.memory_space<hbm>> -> memref<16x16xf32, #tpu.memory_space<hbm>>
      tpu.enqueue_dma source(%arg17 : memref<16x16xf32, #tpu.memory_space<vmem>>) target(%dma_start3A_403 : memref<16x16xf32, #tpu.memory_space<hbm>>) target_semaphore(%run_scoped3A : memref<!tpu.dma_semaphore, #tpu.memory_space<semaphore_mem>>)
      %dma_wait3A_404 = arith.constant 0 : i32
      %dma_wait3A_405 = tpu.memref_slice %arg11[%mul3A_2, %dma_wait3A_404] : memref<512x16xf32, #tpu.memory_space<hbm>> -> memref<16x16xf32, #tpu.memory_space<hbm>>
      %dma_wait3A_406 = arith.constant 0 : i32
      %dma_wait3A_407 = tpu.memref_slice %arg11[%mul3A_2, %dma_wait3A_406] : memref<512x16xf32, #tpu.memory_space<hbm>> -> memref<16x16xf32, #tpu.memory_space<hbm>>
      tpu.wait_dma2 semaphore(%run_scoped3A : memref<!tpu.dma_semaphore, #tpu.memory_space<semaphore_mem>>) src(%arg17 : memref<16x16xf32, #tpu.memory_space<vmem>>) dst(%dma_wait3A_407 : memref<16x16xf32, #tpu.memory_space<hbm>>)
      tpu.yield
    }) : () -> ()
    "tpu.region"() ({
      %run_scoped3A = tpu.sem_alloc : memref<!tpu.dma_semaphore, #tpu.memory_space<semaphore_mem>>
      %dma_start3A_400 = arith.constant 0 : i32
      %dma_start3A_401 = tpu.memref_slice %arg12[%mul3A_2, %dma_start3A_400] : memref<512x16xf32, #tpu.memory_space<hbm>> -> memref<16x16xf32, #tpu.memory_space<hbm>>
      %dma_start3A_402 = arith.constant 0 : i32
      %dma_start3A_403 = tpu.memref_slice %arg12[%mul3A_2, %dma_start3A_402] : memref<512x16xf32, #tpu.memory_space<hbm>> -> memref<16x16xf32, #tpu.memory_space<hbm>>
      tpu.enqueue_dma source(%arg18 : memref<16x16xf32, #tpu.memory_space<vmem>>) target(%dma_start3A_403 : memref<16x16xf32, #tpu.memory_space<hbm>>) target_semaphore(%run_scoped3A : memref<!tpu.dma_semaphore, #tpu.memory_space<semaphore_mem>>)
      %dma_wait3A_404 = arith.constant 0 : i32
      %dma_wait3A_405 = tpu.memref_slice %arg12[%mul3A_2, %dma_wait3A_404] : memref<512x16xf32, #tpu.memory_space<hbm>> -> memref<16x16xf32, #tpu.memory_space<hbm>>
      %dma_wait3A_406 = arith.constant 0 : i32
      %dma_wait3A_407 = tpu.memref_slice %arg12[%mul3A_2, %dma_wait3A_406] : memref<512x16xf32, #tpu.memory_space<hbm>> -> memref<16x16xf32, #tpu.memory_space<hbm>>
      tpu.wait_dma2 semaphore(%run_scoped3A : memref<!tpu.dma_semaphore, #tpu.memory_space<semaphore_mem>>) src(%arg18 : memref<16x16xf32, #tpu.memory_space<vmem>>) dst(%dma_wait3A_407 : memref<16x16xf32, #tpu.memory_space<hbm>>)
      tpu.yield
    }) : () -> ()
    return
  }
}

module attributes {stable_mosaic.version = 14 : i64} {
  func.func @_score_body(%arg0: i32, %arg1: memref<512x16xf32, #tpu.memory_space<vmem>>, %arg2: memref<512x16xf32, #tpu.memory_space<vmem>>, %arg3: memref<16x512xf32, #tpu.memory_space<vmem>>, %arg4: memref<16x512xf32, #tpu.memory_space<vmem>>, %arg5: memref<512x512xf32, #tpu.memory_space<vmem>>, %arg6: memref<512x512xf32, #tpu.memory_space<vmem>>) attributes {dimension_semantics = [#tpu.dimension_semantics<parallel>], iteration_bounds = array<i64: 20>, scalar_prefetch = 0 : i64, scratch_operands = 0 : i64, tpu.core_type = #tpu.core_type<tc>, window_params = [{pipeline_mode = #tpu.pipeline_mode<synchronous>, transform_indices = @transform_0, window_bounds = array<i64: 512, 16>}, {pipeline_mode = #tpu.pipeline_mode<synchronous>, transform_indices = @transform_1, window_bounds = array<i64: 512, 16>}, {transform_indices = @transform_2, window_bounds = array<i64: 16, 512>}, {transform_indices = @transform_3, window_bounds = array<i64: 16, 512>}, {transform_indices = @transform_4, window_bounds = array<i64: 512, 512>}, {transform_indices = @transform_5, window_bounds = array<i64: 512, 512>}]} {
    %get3A = arith.constant 0 : index
    %get3A_0 = arith.constant 0 : index
    %get3A_1 = vector.load %arg1[%get3A, %get3A_0] : memref<512x16xf32, #tpu.memory_space<vmem>>, vector<512x16xf32>
    %get3A_2 = arith.constant 0 : index
    %get3A_3 = arith.constant 0 : index
    %get3A_4 = vector.load %arg2[%get3A_2, %get3A_3] : memref<512x16xf32, #tpu.memory_space<vmem>>, vector<512x16xf32>
    %get3A_5 = arith.constant 0 : index
    %get3A_6 = arith.constant 0 : index
    %get3A_7 = vector.load %arg3[%get3A_5, %get3A_6] : memref<16x512xf32, #tpu.memory_space<vmem>>, vector<16x512xf32>
    %get3A_8 = arith.constant 0 : index
    %get3A_9 = arith.constant 0 : index
    %get3A_10 = vector.load %arg4[%get3A_8, %get3A_9] : memref<16x512xf32, #tpu.memory_space<vmem>>, vector<16x512xf32>
    %slice3A = vector.extract_strided_slice %get3A_1 {offsets = [0, 0], sizes = [512, 1], strides = [1, 1]} : vector<512x16xf32> to vector<512x1xf32>
    %slice3A_11 = vector.extract_strided_slice %get3A_7 {offsets = [0, 0], sizes = [1, 512], strides = [1, 1]} : vector<16x512xf32> to vector<1x512xf32>
    %sub3A = vector.broadcast %slice3A : vector<512x1xf32> to vector<512x512xf32>
    %sub3A_12 = vector.broadcast %slice3A_11 : vector<1x512xf32> to vector<512x512xf32>
    %sub3A_13 = arith.subf %sub3A, %sub3A_12 : vector<512x512xf32>
    %abs3A = math.absf %sub3A_13 : vector<512x512xf32>
    %slice3A_14 = vector.extract_strided_slice %get3A_4 {offsets = [0, 0], sizes = [512, 1], strides = [1, 1]} : vector<512x16xf32> to vector<512x1xf32>
    %slice3A_15 = vector.extract_strided_slice %get3A_10 {offsets = [0, 0], sizes = [1, 512], strides = [1, 1]} : vector<16x512xf32> to vector<1x512xf32>
    %sub3A_16 = vector.broadcast %slice3A_14 : vector<512x1xf32> to vector<512x512xf32>
    %sub3A_17 = vector.broadcast %slice3A_15 : vector<1x512xf32> to vector<512x512xf32>
    %sub3A_18 = arith.subf %sub3A_16, %sub3A_17 : vector<512x512xf32>
    %abs3A_19 = math.absf %sub3A_18 : vector<512x512xf32>
    %slice3A_20 = vector.extract_strided_slice %get3A_1 {offsets = [0, 1], sizes = [512, 1], strides = [1, 1]} : vector<512x16xf32> to vector<512x1xf32>
    %slice3A_21 = vector.extract_strided_slice %get3A_7 {offsets = [1, 0], sizes = [1, 512], strides = [1, 1]} : vector<16x512xf32> to vector<1x512xf32>
    %sub3A_22 = vector.broadcast %slice3A_20 : vector<512x1xf32> to vector<512x512xf32>
    %sub3A_23 = vector.broadcast %slice3A_21 : vector<1x512xf32> to vector<512x512xf32>
    %sub3A_24 = arith.subf %sub3A_22, %sub3A_23 : vector<512x512xf32>
    %abs3A_25 = math.absf %sub3A_24 : vector<512x512xf32>
    %add3A = arith.addf %abs3A, %abs3A_25 : vector<512x512xf32>
    %slice3A_26 = vector.extract_strided_slice %get3A_4 {offsets = [0, 1], sizes = [512, 1], strides = [1, 1]} : vector<512x16xf32> to vector<512x1xf32>
    %slice3A_27 = vector.extract_strided_slice %get3A_10 {offsets = [1, 0], sizes = [1, 512], strides = [1, 1]} : vector<16x512xf32> to vector<1x512xf32>
    %sub3A_28 = vector.broadcast %slice3A_26 : vector<512x1xf32> to vector<512x512xf32>
    %sub3A_29 = vector.broadcast %slice3A_27 : vector<1x512xf32> to vector<512x512xf32>
    %sub3A_30 = arith.subf %sub3A_28, %sub3A_29 : vector<512x512xf32>
    %abs3A_31 = math.absf %sub3A_30 : vector<512x512xf32>
    %add3A_32 = arith.addf %abs3A_19, %abs3A_31 : vector<512x512xf32>
    %slice3A_33 = vector.extract_strided_slice %get3A_1 {offsets = [0, 2], sizes = [512, 1], strides = [1, 1]} : vector<512x16xf32> to vector<512x1xf32>
    %slice3A_34 = vector.extract_strided_slice %get3A_7 {offsets = [2, 0], sizes = [1, 512], strides = [1, 1]} : vector<16x512xf32> to vector<1x512xf32>
    %sub3A_35 = vector.broadcast %slice3A_33 : vector<512x1xf32> to vector<512x512xf32>
    %sub3A_36 = vector.broadcast %slice3A_34 : vector<1x512xf32> to vector<512x512xf32>
    %sub3A_37 = arith.subf %sub3A_35, %sub3A_36 : vector<512x512xf32>
    %abs3A_38 = math.absf %sub3A_37 : vector<512x512xf32>
    %add3A_39 = arith.addf %add3A, %abs3A_38 : vector<512x512xf32>
    %slice3A_40 = vector.extract_strided_slice %get3A_4 {offsets = [0, 2], sizes = [512, 1], strides = [1, 1]} : vector<512x16xf32> to vector<512x1xf32>
    %slice3A_41 = vector.extract_strided_slice %get3A_10 {offsets = [2, 0], sizes = [1, 512], strides = [1, 1]} : vector<16x512xf32> to vector<1x512xf32>
    %sub3A_42 = vector.broadcast %slice3A_40 : vector<512x1xf32> to vector<512x512xf32>
    %sub3A_43 = vector.broadcast %slice3A_41 : vector<1x512xf32> to vector<512x512xf32>
    %sub3A_44 = arith.subf %sub3A_42, %sub3A_43 : vector<512x512xf32>
    %abs3A_45 = math.absf %sub3A_44 : vector<512x512xf32>
    %add3A_46 = arith.addf %add3A_32, %abs3A_45 : vector<512x512xf32>
    %slice3A_47 = vector.extract_strided_slice %get3A_1 {offsets = [0, 3], sizes = [512, 1], strides = [1, 1]} : vector<512x16xf32> to vector<512x1xf32>
    %slice3A_48 = vector.extract_strided_slice %get3A_7 {offsets = [3, 0], sizes = [1, 512], strides = [1, 1]} : vector<16x512xf32> to vector<1x512xf32>
    %sub3A_49 = vector.broadcast %slice3A_47 : vector<512x1xf32> to vector<512x512xf32>
    %sub3A_50 = vector.broadcast %slice3A_48 : vector<1x512xf32> to vector<512x512xf32>
    %sub3A_51 = arith.subf %sub3A_49, %sub3A_50 : vector<512x512xf32>
    %abs3A_52 = math.absf %sub3A_51 : vector<512x512xf32>
    %add3A_53 = arith.addf %add3A_39, %abs3A_52 : vector<512x512xf32>
    %slice3A_54 = vector.extract_strided_slice %get3A_4 {offsets = [0, 3], sizes = [512, 1], strides = [1, 1]} : vector<512x16xf32> to vector<512x1xf32>
    %slice3A_55 = vector.extract_strided_slice %get3A_10 {offsets = [3, 0], sizes = [1, 512], strides = [1, 1]} : vector<16x512xf32> to vector<1x512xf32>
    %sub3A_56 = vector.broadcast %slice3A_54 : vector<512x1xf32> to vector<512x512xf32>
    %sub3A_57 = vector.broadcast %slice3A_55 : vector<1x512xf32> to vector<512x512xf32>
    %sub3A_58 = arith.subf %sub3A_56, %sub3A_57 : vector<512x512xf32>
    %abs3A_59 = math.absf %sub3A_58 : vector<512x512xf32>
    %add3A_60 = arith.addf %add3A_46, %abs3A_59 : vector<512x512xf32>
    %slice3A_61 = vector.extract_strided_slice %get3A_1 {offsets = [0, 4], sizes = [512, 1], strides = [1, 1]} : vector<512x16xf32> to vector<512x1xf32>
    %slice3A_62 = vector.extract_strided_slice %get3A_7 {offsets = [4, 0], sizes = [1, 512], strides = [1, 1]} : vector<16x512xf32> to vector<1x512xf32>
    %sub3A_63 = vector.broadcast %slice3A_61 : vector<512x1xf32> to vector<512x512xf32>
    %sub3A_64 = vector.broadcast %slice3A_62 : vector<1x512xf32> to vector<512x512xf32>
    %sub3A_65 = arith.subf %sub3A_63, %sub3A_64 : vector<512x512xf32>
    %abs3A_66 = math.absf %sub3A_65 : vector<512x512xf32>
    %add3A_67 = arith.addf %add3A_53, %abs3A_66 : vector<512x512xf32>
    %slice3A_68 = vector.extract_strided_slice %get3A_4 {offsets = [0, 4], sizes = [512, 1], strides = [1, 1]} : vector<512x16xf32> to vector<512x1xf32>
    %slice3A_69 = vector.extract_strided_slice %get3A_10 {offsets = [4, 0], sizes = [1, 512], strides = [1, 1]} : vector<16x512xf32> to vector<1x512xf32>
    %sub3A_70 = vector.broadcast %slice3A_68 : vector<512x1xf32> to vector<512x512xf32>
    %sub3A_71 = vector.broadcast %slice3A_69 : vector<1x512xf32> to vector<512x512xf32>
    %sub3A_72 = arith.subf %sub3A_70, %sub3A_71 : vector<512x512xf32>
    %abs3A_73 = math.absf %sub3A_72 : vector<512x512xf32>
    %add3A_74 = arith.addf %add3A_60, %abs3A_73 : vector<512x512xf32>
    %slice3A_75 = vector.extract_strided_slice %get3A_1 {offsets = [0, 5], sizes = [512, 1], strides = [1, 1]} : vector<512x16xf32> to vector<512x1xf32>
    %slice3A_76 = vector.extract_strided_slice %get3A_7 {offsets = [5, 0], sizes = [1, 512], strides = [1, 1]} : vector<16x512xf32> to vector<1x512xf32>
    %sub3A_77 = vector.broadcast %slice3A_75 : vector<512x1xf32> to vector<512x512xf32>
    %sub3A_78 = vector.broadcast %slice3A_76 : vector<1x512xf32> to vector<512x512xf32>
    %sub3A_79 = arith.subf %sub3A_77, %sub3A_78 : vector<512x512xf32>
    %abs3A_80 = math.absf %sub3A_79 : vector<512x512xf32>
    %add3A_81 = arith.addf %add3A_67, %abs3A_80 : vector<512x512xf32>
    %slice3A_82 = vector.extract_strided_slice %get3A_4 {offsets = [0, 5], sizes = [512, 1], strides = [1, 1]} : vector<512x16xf32> to vector<512x1xf32>
    %slice3A_83 = vector.extract_strided_slice %get3A_10 {offsets = [5, 0], sizes = [1, 512], strides = [1, 1]} : vector<16x512xf32> to vector<1x512xf32>
    %sub3A_84 = vector.broadcast %slice3A_82 : vector<512x1xf32> to vector<512x512xf32>
    %sub3A_85 = vector.broadcast %slice3A_83 : vector<1x512xf32> to vector<512x512xf32>
    %sub3A_86 = arith.subf %sub3A_84, %sub3A_85 : vector<512x512xf32>
    %abs3A_87 = math.absf %sub3A_86 : vector<512x512xf32>
    %add3A_88 = arith.addf %add3A_74, %abs3A_87 : vector<512x512xf32>
    %slice3A_89 = vector.extract_strided_slice %get3A_1 {offsets = [0, 6], sizes = [512, 1], strides = [1, 1]} : vector<512x16xf32> to vector<512x1xf32>
    %slice3A_90 = vector.extract_strided_slice %get3A_7 {offsets = [6, 0], sizes = [1, 512], strides = [1, 1]} : vector<16x512xf32> to vector<1x512xf32>
    %sub3A_91 = vector.broadcast %slice3A_89 : vector<512x1xf32> to vector<512x512xf32>
    %sub3A_92 = vector.broadcast %slice3A_90 : vector<1x512xf32> to vector<512x512xf32>
    %sub3A_93 = arith.subf %sub3A_91, %sub3A_92 : vector<512x512xf32>
    %abs3A_94 = math.absf %sub3A_93 : vector<512x512xf32>
    %add3A_95 = arith.addf %add3A_81, %abs3A_94 : vector<512x512xf32>
    %slice3A_96 = vector.extract_strided_slice %get3A_4 {offsets = [0, 6], sizes = [512, 1], strides = [1, 1]} : vector<512x16xf32> to vector<512x1xf32>
    %slice3A_97 = vector.extract_strided_slice %get3A_10 {offsets = [6, 0], sizes = [1, 512], strides = [1, 1]} : vector<16x512xf32> to vector<1x512xf32>
    %sub3A_98 = vector.broadcast %slice3A_96 : vector<512x1xf32> to vector<512x512xf32>
    %sub3A_99 = vector.broadcast %slice3A_97 : vector<1x512xf32> to vector<512x512xf32>
    %sub3A_100 = arith.subf %sub3A_98, %sub3A_99 : vector<512x512xf32>
    %abs3A_101 = math.absf %sub3A_100 : vector<512x512xf32>
    %add3A_102 = arith.addf %add3A_88, %abs3A_101 : vector<512x512xf32>
    %slice3A_103 = vector.extract_strided_slice %get3A_1 {offsets = [0, 7], sizes = [512, 1], strides = [1, 1]} : vector<512x16xf32> to vector<512x1xf32>
    %slice3A_104 = vector.extract_strided_slice %get3A_7 {offsets = [7, 0], sizes = [1, 512], strides = [1, 1]} : vector<16x512xf32> to vector<1x512xf32>
    %sub3A_105 = vector.broadcast %slice3A_103 : vector<512x1xf32> to vector<512x512xf32>
    %sub3A_106 = vector.broadcast %slice3A_104 : vector<1x512xf32> to vector<512x512xf32>
    %sub3A_107 = arith.subf %sub3A_105, %sub3A_106 : vector<512x512xf32>
    %abs3A_108 = math.absf %sub3A_107 : vector<512x512xf32>
    %add3A_109 = arith.addf %add3A_95, %abs3A_108 : vector<512x512xf32>
    %slice3A_110 = vector.extract_strided_slice %get3A_4 {offsets = [0, 7], sizes = [512, 1], strides = [1, 1]} : vector<512x16xf32> to vector<512x1xf32>
    %slice3A_111 = vector.extract_strided_slice %get3A_10 {offsets = [7, 0], sizes = [1, 512], strides = [1, 1]} : vector<16x512xf32> to vector<1x512xf32>
    %sub3A_112 = vector.broadcast %slice3A_110 : vector<512x1xf32> to vector<512x512xf32>
    %sub3A_113 = vector.broadcast %slice3A_111 : vector<1x512xf32> to vector<512x512xf32>
    %sub3A_114 = arith.subf %sub3A_112, %sub3A_113 : vector<512x512xf32>
    %abs3A_115 = math.absf %sub3A_114 : vector<512x512xf32>
    %add3A_116 = arith.addf %add3A_102, %abs3A_115 : vector<512x512xf32>
    %slice3A_117 = vector.extract_strided_slice %get3A_1 {offsets = [0, 8], sizes = [512, 1], strides = [1, 1]} : vector<512x16xf32> to vector<512x1xf32>
    %slice3A_118 = vector.extract_strided_slice %get3A_7 {offsets = [8, 0], sizes = [1, 512], strides = [1, 1]} : vector<16x512xf32> to vector<1x512xf32>
    %sub3A_119 = vector.broadcast %slice3A_117 : vector<512x1xf32> to vector<512x512xf32>
    %sub3A_120 = vector.broadcast %slice3A_118 : vector<1x512xf32> to vector<512x512xf32>
    %sub3A_121 = arith.subf %sub3A_119, %sub3A_120 : vector<512x512xf32>
    %abs3A_122 = math.absf %sub3A_121 : vector<512x512xf32>
    %add3A_123 = arith.addf %add3A_109, %abs3A_122 : vector<512x512xf32>
    %slice3A_124 = vector.extract_strided_slice %get3A_4 {offsets = [0, 8], sizes = [512, 1], strides = [1, 1]} : vector<512x16xf32> to vector<512x1xf32>
    %slice3A_125 = vector.extract_strided_slice %get3A_10 {offsets = [8, 0], sizes = [1, 512], strides = [1, 1]} : vector<16x512xf32> to vector<1x512xf32>
    %sub3A_126 = vector.broadcast %slice3A_124 : vector<512x1xf32> to vector<512x512xf32>
    %sub3A_127 = vector.broadcast %slice3A_125 : vector<1x512xf32> to vector<512x512xf32>
    %sub3A_128 = arith.subf %sub3A_126, %sub3A_127 : vector<512x512xf32>
    %abs3A_129 = math.absf %sub3A_128 : vector<512x512xf32>
    %add3A_130 = arith.addf %add3A_116, %abs3A_129 : vector<512x512xf32>
    %slice3A_131 = vector.extract_strided_slice %get3A_1 {offsets = [0, 9], sizes = [512, 1], strides = [1, 1]} : vector<512x16xf32> to vector<512x1xf32>
    %slice3A_132 = vector.extract_strided_slice %get3A_7 {offsets = [9, 0], sizes = [1, 512], strides = [1, 1]} : vector<16x512xf32> to vector<1x512xf32>
    %sub3A_133 = vector.broadcast %slice3A_131 : vector<512x1xf32> to vector<512x512xf32>
    %sub3A_134 = vector.broadcast %slice3A_132 : vector<1x512xf32> to vector<512x512xf32>
    %sub3A_135 = arith.subf %sub3A_133, %sub3A_134 : vector<512x512xf32>
    %abs3A_136 = math.absf %sub3A_135 : vector<512x512xf32>
    %add3A_137 = arith.addf %add3A_123, %abs3A_136 : vector<512x512xf32>
    %slice3A_138 = vector.extract_strided_slice %get3A_4 {offsets = [0, 9], sizes = [512, 1], strides = [1, 1]} : vector<512x16xf32> to vector<512x1xf32>
    %slice3A_139 = vector.extract_strided_slice %get3A_10 {offsets = [9, 0], sizes = [1, 512], strides = [1, 1]} : vector<16x512xf32> to vector<1x512xf32>
    %sub3A_140 = vector.broadcast %slice3A_138 : vector<512x1xf32> to vector<512x512xf32>
    %sub3A_141 = vector.broadcast %slice3A_139 : vector<1x512xf32> to vector<512x512xf32>
    %sub3A_142 = arith.subf %sub3A_140, %sub3A_141 : vector<512x512xf32>
    %abs3A_143 = math.absf %sub3A_142 : vector<512x512xf32>
    %add3A_144 = arith.addf %add3A_130, %abs3A_143 : vector<512x512xf32>
    %slice3A_145 = vector.extract_strided_slice %get3A_1 {offsets = [0, 10], sizes = [512, 1], strides = [1, 1]} : vector<512x16xf32> to vector<512x1xf32>
    %slice3A_146 = vector.extract_strided_slice %get3A_7 {offsets = [10, 0], sizes = [1, 512], strides = [1, 1]} : vector<16x512xf32> to vector<1x512xf32>
    %sub3A_147 = vector.broadcast %slice3A_145 : vector<512x1xf32> to vector<512x512xf32>
    %sub3A_148 = vector.broadcast %slice3A_146 : vector<1x512xf32> to vector<512x512xf32>
    %sub3A_149 = arith.subf %sub3A_147, %sub3A_148 : vector<512x512xf32>
    %abs3A_150 = math.absf %sub3A_149 : vector<512x512xf32>
    %add3A_151 = arith.addf %add3A_137, %abs3A_150 : vector<512x512xf32>
    %slice3A_152 = vector.extract_strided_slice %get3A_4 {offsets = [0, 10], sizes = [512, 1], strides = [1, 1]} : vector<512x16xf32> to vector<512x1xf32>
    %slice3A_153 = vector.extract_strided_slice %get3A_10 {offsets = [10, 0], sizes = [1, 512], strides = [1, 1]} : vector<16x512xf32> to vector<1x512xf32>
    %sub3A_154 = vector.broadcast %slice3A_152 : vector<512x1xf32> to vector<512x512xf32>
    %sub3A_155 = vector.broadcast %slice3A_153 : vector<1x512xf32> to vector<512x512xf32>
    %sub3A_156 = arith.subf %sub3A_154, %sub3A_155 : vector<512x512xf32>
    %abs3A_157 = math.absf %sub3A_156 : vector<512x512xf32>
    %add3A_158 = arith.addf %add3A_144, %abs3A_157 : vector<512x512xf32>
    %slice3A_159 = vector.extract_strided_slice %get3A_1 {offsets = [0, 11], sizes = [512, 1], strides = [1, 1]} : vector<512x16xf32> to vector<512x1xf32>
    %slice3A_160 = vector.extract_strided_slice %get3A_7 {offsets = [11, 0], sizes = [1, 512], strides = [1, 1]} : vector<16x512xf32> to vector<1x512xf32>
    %sub3A_161 = vector.broadcast %slice3A_159 : vector<512x1xf32> to vector<512x512xf32>
    %sub3A_162 = vector.broadcast %slice3A_160 : vector<1x512xf32> to vector<512x512xf32>
    %sub3A_163 = arith.subf %sub3A_161, %sub3A_162 : vector<512x512xf32>
    %abs3A_164 = math.absf %sub3A_163 : vector<512x512xf32>
    %add3A_165 = arith.addf %add3A_151, %abs3A_164 : vector<512x512xf32>
    %slice3A_166 = vector.extract_strided_slice %get3A_4 {offsets = [0, 11], sizes = [512, 1], strides = [1, 1]} : vector<512x16xf32> to vector<512x1xf32>
    %slice3A_167 = vector.extract_strided_slice %get3A_10 {offsets = [11, 0], sizes = [1, 512], strides = [1, 1]} : vector<16x512xf32> to vector<1x512xf32>
    %sub3A_168 = vector.broadcast %slice3A_166 : vector<512x1xf32> to vector<512x512xf32>
    %sub3A_169 = vector.broadcast %slice3A_167 : vector<1x512xf32> to vector<512x512xf32>
    %sub3A_170 = arith.subf %sub3A_168, %sub3A_169 : vector<512x512xf32>
    %abs3A_171 = math.absf %sub3A_170 : vector<512x512xf32>
    %add3A_172 = arith.addf %add3A_158, %abs3A_171 : vector<512x512xf32>
    %slice3A_173 = vector.extract_strided_slice %get3A_1 {offsets = [0, 12], sizes = [512, 1], strides = [1, 1]} : vector<512x16xf32> to vector<512x1xf32>
    %slice3A_174 = vector.extract_strided_slice %get3A_7 {offsets = [12, 0], sizes = [1, 512], strides = [1, 1]} : vector<16x512xf32> to vector<1x512xf32>
    %sub3A_175 = vector.broadcast %slice3A_173 : vector<512x1xf32> to vector<512x512xf32>
    %sub3A_176 = vector.broadcast %slice3A_174 : vector<1x512xf32> to vector<512x512xf32>
    %sub3A_177 = arith.subf %sub3A_175, %sub3A_176 : vector<512x512xf32>
    %abs3A_178 = math.absf %sub3A_177 : vector<512x512xf32>
    %add3A_179 = arith.addf %add3A_165, %abs3A_178 : vector<512x512xf32>
    %slice3A_180 = vector.extract_strided_slice %get3A_4 {offsets = [0, 12], sizes = [512, 1], strides = [1, 1]} : vector<512x16xf32> to vector<512x1xf32>
    %slice3A_181 = vector.extract_strided_slice %get3A_10 {offsets = [12, 0], sizes = [1, 512], strides = [1, 1]} : vector<16x512xf32> to vector<1x512xf32>
    %sub3A_182 = vector.broadcast %slice3A_180 : vector<512x1xf32> to vector<512x512xf32>
    %sub3A_183 = vector.broadcast %slice3A_181 : vector<1x512xf32> to vector<512x512xf32>
    %sub3A_184 = arith.subf %sub3A_182, %sub3A_183 : vector<512x512xf32>
    %abs3A_185 = math.absf %sub3A_184 : vector<512x512xf32>
    %add3A_186 = arith.addf %add3A_172, %abs3A_185 : vector<512x512xf32>
    %slice3A_187 = vector.extract_strided_slice %get3A_1 {offsets = [0, 13], sizes = [512, 1], strides = [1, 1]} : vector<512x16xf32> to vector<512x1xf32>
    %slice3A_188 = vector.extract_strided_slice %get3A_7 {offsets = [13, 0], sizes = [1, 512], strides = [1, 1]} : vector<16x512xf32> to vector<1x512xf32>
    %sub3A_189 = vector.broadcast %slice3A_187 : vector<512x1xf32> to vector<512x512xf32>
    %sub3A_190 = vector.broadcast %slice3A_188 : vector<1x512xf32> to vector<512x512xf32>
    %sub3A_191 = arith.subf %sub3A_189, %sub3A_190 : vector<512x512xf32>
    %abs3A_192 = math.absf %sub3A_191 : vector<512x512xf32>
    %add3A_193 = arith.addf %add3A_179, %abs3A_192 : vector<512x512xf32>
    %slice3A_194 = vector.extract_strided_slice %get3A_4 {offsets = [0, 13], sizes = [512, 1], strides = [1, 1]} : vector<512x16xf32> to vector<512x1xf32>
    %slice3A_195 = vector.extract_strided_slice %get3A_10 {offsets = [13, 0], sizes = [1, 512], strides = [1, 1]} : vector<16x512xf32> to vector<1x512xf32>
    %sub3A_196 = vector.broadcast %slice3A_194 : vector<512x1xf32> to vector<512x512xf32>
    %sub3A_197 = vector.broadcast %slice3A_195 : vector<1x512xf32> to vector<512x512xf32>
    %sub3A_198 = arith.subf %sub3A_196, %sub3A_197 : vector<512x512xf32>
    %abs3A_199 = math.absf %sub3A_198 : vector<512x512xf32>
    %add3A_200 = arith.addf %add3A_186, %abs3A_199 : vector<512x512xf32>
    %slice3A_201 = vector.extract_strided_slice %get3A_1 {offsets = [0, 14], sizes = [512, 1], strides = [1, 1]} : vector<512x16xf32> to vector<512x1xf32>
    %slice3A_202 = vector.extract_strided_slice %get3A_7 {offsets = [14, 0], sizes = [1, 512], strides = [1, 1]} : vector<16x512xf32> to vector<1x512xf32>
    %sub3A_203 = vector.broadcast %slice3A_201 : vector<512x1xf32> to vector<512x512xf32>
    %sub3A_204 = vector.broadcast %slice3A_202 : vector<1x512xf32> to vector<512x512xf32>
    %sub3A_205 = arith.subf %sub3A_203, %sub3A_204 : vector<512x512xf32>
    %abs3A_206 = math.absf %sub3A_205 : vector<512x512xf32>
    %add3A_207 = arith.addf %add3A_193, %abs3A_206 : vector<512x512xf32>
    %slice3A_208 = vector.extract_strided_slice %get3A_4 {offsets = [0, 14], sizes = [512, 1], strides = [1, 1]} : vector<512x16xf32> to vector<512x1xf32>
    %slice3A_209 = vector.extract_strided_slice %get3A_10 {offsets = [14, 0], sizes = [1, 512], strides = [1, 1]} : vector<16x512xf32> to vector<1x512xf32>
    %sub3A_210 = vector.broadcast %slice3A_208 : vector<512x1xf32> to vector<512x512xf32>
    %sub3A_211 = vector.broadcast %slice3A_209 : vector<1x512xf32> to vector<512x512xf32>
    %sub3A_212 = arith.subf %sub3A_210, %sub3A_211 : vector<512x512xf32>
    %abs3A_213 = math.absf %sub3A_212 : vector<512x512xf32>
    %add3A_214 = arith.addf %add3A_200, %abs3A_213 : vector<512x512xf32>
    %slice3A_215 = vector.extract_strided_slice %get3A_1 {offsets = [0, 15], sizes = [512, 1], strides = [1, 1]} : vector<512x16xf32> to vector<512x1xf32>
    %slice3A_216 = vector.extract_strided_slice %get3A_7 {offsets = [15, 0], sizes = [1, 512], strides = [1, 1]} : vector<16x512xf32> to vector<1x512xf32>
    %sub3A_217 = vector.broadcast %slice3A_215 : vector<512x1xf32> to vector<512x512xf32>
    %sub3A_218 = vector.broadcast %slice3A_216 : vector<1x512xf32> to vector<512x512xf32>
    %sub3A_219 = arith.subf %sub3A_217, %sub3A_218 : vector<512x512xf32>
    %abs3A_220 = math.absf %sub3A_219 : vector<512x512xf32>
    %add3A_221 = arith.addf %add3A_207, %abs3A_220 : vector<512x512xf32>
    %slice3A_222 = vector.extract_strided_slice %get3A_4 {offsets = [0, 15], sizes = [512, 1], strides = [1, 1]} : vector<512x16xf32> to vector<512x1xf32>
    %slice3A_223 = vector.extract_strided_slice %get3A_10 {offsets = [15, 0], sizes = [1, 512], strides = [1, 1]} : vector<16x512xf32> to vector<1x512xf32>
    %sub3A_224 = vector.broadcast %slice3A_222 : vector<512x1xf32> to vector<512x512xf32>
    %sub3A_225 = vector.broadcast %slice3A_223 : vector<1x512xf32> to vector<512x512xf32>
    %sub3A_226 = arith.subf %sub3A_224, %sub3A_225 : vector<512x512xf32>
    %abs3A_227 = math.absf %sub3A_226 : vector<512x512xf32>
    %add3A_228 = arith.addf %add3A_214, %abs3A_227 : vector<512x512xf32>
    %neg3A = arith.constant 0.000000e+00 : f32
    %neg3A_229 = vector.broadcast %neg3A : f32 to vector<512x512xf32>
    %neg3A_230 = arith.subf %neg3A_229, %add3A_221 : vector<512x512xf32>
    %swap3A = arith.constant 0 : index
    %swap3A_231 = arith.constant 0 : index
    %swap3A_232 = vector.load %arg5[%swap3A, %swap3A_231] : memref<512x512xf32, #tpu.memory_space<vmem>>, vector<512x512xf32>
    tpu.vector_store %arg5[%swap3A, %swap3A_231], %neg3A_230 {strides = array<i32>} : memref<512x512xf32, #tpu.memory_space<vmem>>, vector<512x512xf32>,
    %neg3A_233 = arith.constant 0.000000e+00 : f32
    %neg3A_234 = vector.broadcast %neg3A_233 : f32 to vector<512x512xf32>
    %neg3A_235 = arith.subf %neg3A_234, %add3A_228 : vector<512x512xf32>
    %swap3A_236 = arith.constant 0 : index
    %swap3A_237 = arith.constant 0 : index
    %swap3A_238 = vector.load %arg6[%swap3A_236, %swap3A_237] : memref<512x512xf32, #tpu.memory_space<vmem>>, vector<512x512xf32>
    tpu.vector_store %arg6[%swap3A_236, %swap3A_237], %neg3A_235 {strides = array<i32>} : memref<512x512xf32, #tpu.memory_space<vmem>>, vector<512x512xf32>,
    return
  }
  func.func @transform_0(%arg0: i32) -> (i32, i32) {
    %c0_i32 = arith.constant 0 : i32
    %c0_i32_0 = arith.constant 0 : i32
    %c0_i32_1 = arith.constant 0 : i32
    return %c0_i32, %c0_i32_0 : i32, i32
  }
  func.func @transform_1(%arg0: i32) -> (i32, i32) {
    %c0_i32 = arith.constant 0 : i32
    %c0_i32_0 = arith.constant 0 : i32
    %c0_i32_1 = arith.constant 0 : i32
    return %c0_i32, %c0_i32_0 : i32, i32
  }
  func.func @transform_2(%arg0: i32) -> (i32, i32) {
    %c0_i32 = arith.constant 0 : i32
    %c0_i32_0 = arith.constant 0 : i32
    return %c0_i32, %arg0 : i32, i32
  }
  func.func @transform_3(%arg0: i32) -> (i32, i32) {
    %c0_i32 = arith.constant 0 : i32
    %c0_i32_0 = arith.constant 0 : i32
    return %c0_i32, %arg0 : i32, i32
  }
  func.func @transform_4(%arg0: i32) -> (i32, i32) {
    %c0_i32 = arith.constant 0 : i32
    %c0_i32_0 = arith.constant 0 : i32
    return %c0_i32, %arg0 : i32, i32
  }
  func.func @transform_5(%arg0: i32) -> (i32, i32) {
    %c0_i32 = arith.constant 0 : i32
    %c0_i32_0 = arith.constant 0 : i32
    return %c0_i32, %arg0 : i32, i32
  }
}

</mosaic_0001>

<sc_bundles>
// kernel: kernel.4.cloned.1.call-start
scs
__scs_entry_jumppad:
0x0: {  	(pc) =	sbr.rel $0x88, $3  }
0x1: {  	(tag) =	ssettag $0x0;
	lr =	simm.s32 $0x1  }
0x2: {  	[smem:$0x3F9D] =	sst lr;
	_ =	strace $0xD0000000  }
0x3: {  	_ = 	snop  }
0x4: {  	_ = 	snop  }
0x5: {  	_ = 	snop  }
0x6: {  	_ = 	snop  }
0x7: {  	_ = 	snop  }
__scs_overlays_trampoline_lowered:
0x8: {  	[smem:$0x3FAC] =	sst s0  }
0x9: {  	[smem:$0x3FAD] =	sst s1  }
0xa: {  	[smem:$0x3FAE] =	sst s2  }
0xb: {  	[smem:$0x3FAF] =	sst s3  }
0xc: {  	[smem:$0x3FB0] =	sst s4  }
0xd: {  	[smem:$0x3FB1] =	sst s5  }
0xe: {  	[smem:$0x3FB2] =	sst s6  }
0xf: {  	[smem:$0x3FB3] =	sst s7  }
0x10: {  	[smem:$0x3FB4] =	sst s8  }
0x11: {  	[smem:$0x3FB5] =	sst s9;
	s0 =	simm.s32 @!p0 $0x0  }
0x12: {  	s1 =	sld [smem:$0x3F9B];
	s0 =	simm.s32 @p0 $0x1  }
0x13: {  	[smem:$0x3FB6] =	sst s0;
	s0 =	simm.s32 @!p1 $0x0  }
0x14: {  	s2 =	sld [smem:$0x3F9A];
	s0 =	simm.s32 @p1 $0x1  }
0x15: {  	[smem:$0x3FB7] =	sst s0;
	s0 =	simm.s32 @!p2 $0x0  }
0x16: {  	s3 =	sld [smem:$0x3FDB];
	s0 =	simm.s32 @p2 $0x1  }
0x17: {  	s4 =	simm.s32 $0x1BF5;
	[smem:$0x3FB9] =	sst s0  }
0x18: {  	s0 =	sld [smem:$0x3F9C];
	_ =	swait.ge [sflag:s4], $0x0  }
0x19: {  	s7 =	sld [smem:$0x3F9D]  }
0x1a: {  	s8 =	sadd.s32 $0xFFFFE003, lr  }
0x1b: {  	s9 =	sadd.s32 $0xFFFFFEF7, lr;
	s5 =	simm.s32 $0xFFFFFFFF;
	p2 =	slt.u32 s8, $0xFFFFF086  }
0x1c: {  	p1 =	slt.u32 s9, $0xF7A;
	s5 =	simm.s32 @!p2 $0x0  }
0x1d: {  	s5 =	simm.s32 @p1 $0x1;
	p0 =	seq.s32 s7, s2  }
0x1e: {  	s7 =	smul.u32 @!p0 $0xF7A, s2;
	p2 =	seq.s32 @!p0 s5, $0x0  }
0x1f: {  	s9 =	smul.u32 $0xF7A, s1;
	s8 =	simm.s32 @!p0 $0x1BF5;
	p2 =	por !p2, p0  }
0x20: {  	[sflag:s8] =	ssyncset.s32 @!p0 $0xFFFFF086;
	s6 =	sadd.s32 @!p0 s3, s7;
	s7 =	simm.s32 @!p0 $0x108  }
0x21: {  	s3 =	sadd.s32 s3, s9;
	s6 =	sadd.s32 @!p0 $0x88, s6;
	s7 =	simm.s32 @p2 $0x1082  }
0x22: {  	[simem:s7], [sflag:s8] =	dma.local @!p0 [hbm:s6], $0xF7A  }
0x23: {  	s9 =	sor.u32 $0xD0000000, s2;
	s6 =	simm.s32 $0x108;
	_ =	swait.ge @!p0 [sflag:s8], $0x0  }
0x24: {  	s3 =	sadd.s32 $0x88, s3;
	s6 =	simm.s32 @!p1 $0x1082;
	[sflag:s4] =	ssyncset.s32 $0xFFFFF086  }
0x25: {  	[simem:s6], [sflag:s4] =	dma.local [hbm:s3], $0xF7A  }
0x26: {  	[smem:$0x3F9D] =	sst s1;
	(tag) =	ssettag s2;
	_ =	strace s9  }
0x27: {  	s1 =	sld [smem:$0x3FAD]  }
0x28: {  	s2 =	sld [smem:$0x3FAE]  }
0x29: {  	s4 =	sld [smem:$0x3FB0]  }
0x2a: {  	p0 =	seq.s32 s5, $0x0;
	s5 =	sld [smem:$0x3FB1]  }
0x2b: {  	s6 =	sld [smem:$0x3FB2]  }
0x2c: {  	s7 =	sld [smem:$0x3FB3]  }
0x2d: {  	s3 =	simm.s32 $0x108;
	s8 =	sld [smem:$0x3FB4]  }
0x2e: {  	s3 =	simm.s32 @!p0 $0x1082;
	s9 =	sld [smem:$0x3FB5]  }
0x2f: {  	lr =	sadd.s32 s0, s3;
	s0 =	sld [smem:$0x3FAC]  }
0x30: {  	s3 =	sld [smem:$0x3FAF]  }
0x31: {  	[smem:$0x3FB8] =	sst s10  }
0x32: {  	s10 =	sld [smem:$0x3FB6];
	_ =	sdelay $0x3  }
0x33: {  	p0 =	seq.s32 s10, $0x1;
	s10 =	sld [smem:$0x3FB8];
	_ =	sdelay $0x3  }
0x34: {  	[smem:$0x3FB8] =	sst s10  }
0x35: {  	s10 =	sld [smem:$0x3FB7];
	_ =	sdelay $0x3  }
0x36: {  	p1 =	seq.s32 s10, $0x1;
	s10 =	sld [smem:$0x3FB8];
	_ =	sdelay $0x3  }
0x37: {  	[smem:$0x3FB8] =	sst s10  }
0x38: {  	s10 =	sld [smem:$0x3FB9]  }
0x39: {  	_ = 	snop;
	(pc) =	sbr.ind lr, $3  }
0x3a: {  	_ = 	snop  }
0x3b: {  	_ = 	snop  }
0x3c: {  	p2 =	seq.s32 s10, $0x1;
	s10 =	sld [smem:$0x3FB8]  }
0x3d: {  	_ =	shalt  }
0x3e: {  	_ =	shalt  }
0x3f: {  	_ =	shalt  }
0x40: {  	_ =	shalt  }
0x41: {  	_ =	shalt  }
0x42: {  	_ =	shalt  }
0x43: {  	_ =	shalt  }
0x44: {  	_ =	shalt  }
0x45: {  	_ =	shalt  }
0x46: {  	_ =	shalt  }
0x47: {  	_ =	shalt  }
0x48: {  	_ =	shalt  }
0x49: {  	_ =	shalt  }
0x4a: {  	_ =	shalt  }
0x4b: {  	_ =	shalt  }
0x4c: {  	_ =	shalt  }
0x4d: {  	_ =	shalt  }
0x4e: {  	_ =	shalt  }
0x4f: {  	_ =	shalt  }
0x50: {  	_ =	shalt  }
0x51: {  	_ =	shalt  }
0x52: {  	_ =	shalt  }
0x53: {  	_ =	shalt  }
0x54: {  	_ =	shalt  }
0x55: {  	_ =	shalt  }
0x56: {  	_ =	shalt  }
0x57: {  	_ =	shalt  }
0x58: {  	_ =	shalt  }
0x59: {  	_ =	shalt  }
0x5a: {  	_ =	shalt  }
0x5b: {  	_ =	shalt  }
0x5c: {  	_ =	shalt  }
0x5d: {  	_ =	shalt  }
0x5e: {  	_ =	shalt  }
0x5f: {  	_ =	shalt  }
0x60: {  	_ =	shalt  }
0x61: {  	_ =	shalt  }
0x62: {  	_ =	shalt  }
0x63: {  	_ =	shalt  }
0x64: {  	_ =	shalt  }
0x65: {  	_ =	shalt  }
0x66: {  	_ =	shalt  }
0x67: {  	_ =	shalt  }
0x68: {  	_ =	shalt  }
0x69: {  	_ =	shalt  }
0x6a: {  	_ =	shalt  }
0x6b: {  	_ =	shalt  }
0x6c: {  	_ =	shalt  }
0x6d: {  	_ =	shalt  }
0x6e: {  	_ =	shalt  }
0x6f: {  	_ =	shalt  }
0x70: {  	_ =	shalt  }
0x71: {  	_ =	shalt  }
0x72: {  	_ =	shalt  }
0x73: {  	_ =	shalt  }
0x74: {  	_ =	shalt  }
0x75: {  	_ =	shalt  }
0x76: {  	_ =	shalt  }
0x77: {  	_ =	shalt  }
0x78: {  	_ =	shalt  }
0x79: {  	_ =	shalt  }
0x7a: {  	_ =	shalt  }
0x7b: {  	_ =	shalt  }
0x7c: {  	_ =	shalt  }
0x7d: {  	_ =	shalt  }
0x7e: {  	_ =	shalt  }
0x7f: {  	_ =	shalt  }
0x80: {  	_ =	shalt  }
0x81: {  	_ =	shalt  }
0x82: {  	_ =	shalt  }
0x83: {  	_ =	shalt  }
0x84: {  	_ =	shalt  }
0x85: {  	_ =	shalt  }
0x86: {  	_ =	shalt  }
0x87: {  	_ =	shalt  }
.Lfunc_end0:
.L_simem_size_0:
called_computation_lowered:
.L_overlay_start_0:
0x88: {  	s2 =	sld [smem:$0x3FD9]  }
0x89: {  	s3 =	sld [smem:$0x3FFE];
	_ =	sdelay $0x1  }
0x8a: {  	s1 =	srdreg.scid  }
0x8b: {  	s0 =	sand.u32 $0x1, s1  }
0x8c: {  	s14 =	sshll.u32 s0, $0xA;
	s2 =	sadd.s32 s3, s2  }
0x8d: {  	s2 =	sadd.s32 s2, s14  }
0x8e: {  	[smem:$0x3FC4] =	sst s2  }
0x8f: {  	_ = 	snop  }
0x90: {  	s2 =	sld [smem:$0x3FD0];
	_ =	sdelay $0x2  }
0x91: {  	s15 =	simm.s32 $0xA;
	s4 =	simm.s32 $0x10  }
0x92: {  	[smem:s4], [sflag:s15] =	dma.local [hbm:s2], $0x1  }
0x93: {  	_ =	swait.eq [sflag:s15], $0x1  }
0x94: {  	[sflag:s15] =	ssyncset.done $0x0  }
0x95: {  	s5 =	sld [smem:$0x10];
	[sflag:s15] =	ssyncadd.s32 $0xFFFFFFFF  }
0x96: {  	s2 =	sadd.s32 $0x6, s2;
	s6 =	sld [smem:$0x11]  }
0x97: {  	[smem:s4], [sflag:s15] =	dma.local [hbm:s2], $0x1  }
0x98: {  	_ =	swait.eq [sflag:s15], $0x1  }
0x99: {  	s16 =	sld [smem:$0x14];
	[sflag:s15] =	ssyncset.done $0x0  }
0x9a: {  	s17 =	sld [smem:$0x15];
	[sflag:s15] =	ssyncadd.s32 $0xFFFFFFFF  }
0x9b: {  	s18 =	sld [smem:$0x16];
	(tm) =	ssettm $0x1  }
0x9c: {  	s7 =	sld [smem:$0x3FFB];
	_ =	sdelay $0x3  }
0x9d: {  	_ =	strace s7  }
0x9e: {  	s7 =	sld [smem:$0x3FFC];
	_ =	sdelay $0x3  }
0x9f: {  	_ =	strace s7  }
0xa0: {  	s7 =	sld [smem:$0x3FFD];
	_ =	sdelay $0x3  }
0xa1: {  	_ =	strace s7  }
0xa2: {  	_ =	strace $0x8FFFFFFF  }
0xa3: {  	s19 =	sld [smem:$0x3FDB];
	_ =	sdelay $0x1  }
0xa4: {  	s8 =	simm.s32 $_scs_section_size  }
0xa5: {  	s9 =	simm.s32 $_size__tile_overlayer_lowered;
	s10 =	simm.s32 $_tile_overlayer_lowered  }
0xa6: {  	s22 =	simm.s32 $0x1BFF;
	s21 =	sshll.u32 s10, $0x1;
	s7 =	sadd.s32 s8, s19  }
0xa7: {  	s11 =	simm.s32 $0x0;
	s20 =	sshll.u32 s9, $0x1;
	s9 =	sadd.s32 s21, s7  }
0xa8: {  	[timem:s11], [sflag:s22] =	dma.local [hbm:s9], s20  }
0xa9: {  	_ =	swait.ge [sflag:s22], s20  }
0xaa: {  	s8 =	ssub.s32 $0x0, s20;
	[sflag:s22] =	ssyncset.done $0x0  }
0xab: {  	[sflag:s22] =	ssyncadd.s32 s8;
	_ =	sdelay $0x1  }
0xac: {  	s23 =	simm.s32 $0x1B8B  }
0xad: {  	_ =	swait.ge [sflag:s23], $0x1  }
0xae: {  	[sflag:s23] =	ssyncset.done $0x0  }
0xaf: {  	s25 =	simm.s32 $0x1B8E;
	s24 =	sld [smem:$0x3FFE];
	[sflag:s23] =	ssyncadd.s32 $0xFFFFFFFF  }
0xb0: {  	s26 =	simm.s32 $execute0_lowered;
	[smem:$0x3FD2] =	sst s25  }
0xb1: {  	s9 =	sshll.u32 s26, $0x1;
	_ =	strace $0x80000046;
	[dreg:$0x1] =	wrdreg $0xFFFFFFFF  }
0xb2: {  	s28 =	simm.s32 $_size_execute0_lowered;
	s7 =	sadd.s32 s7, s9;
	[dreg:$0x0] =	wrdreg $0x0  }
0xb3: {  	s9 =	sshll.u32 s28, $0x1;
	[dreg:$0x2] =	wrdreg s7  }
0xb4: {  	[dreg:$0x3] =	wrdreg s9  }
0xb5: {  	[dreg:$0x4] =	wrdreg $0xC0  }
0xb6: {  	_ =	task [dreg:s11], $0x5FFFF  }
0xb7: {  	[dreg:$0x1] =	wrdreg $0xFFFFFFFF  }
0xb8: {  	[dreg:$0x0] =	wrdreg $0x60  }
0xb9: {  	[dreg:$0x2] =	wrdreg s16  }
0xba: {  	[dreg:$0x3] =	wrdreg s17  }
0xbb: {  	[dreg:$0x4] =	wrdreg s18  }
0xbc: {  	[dreg:$0x5] =	wrdreg s6  }
0xbd: {  	[dreg:$0x6] =	wrdreg s24  }
0xbe: {  	[dreg:$0x7] =	wrdreg s5  }
0xbf: {  	[dreg:$0x8] =	wrdreg $0x9  }
0xc0: {  	_ =	task.clear_ibuf [dreg:s11], $0x9FFFF;
	_ =	strace $0x90000046  }
0xc1: {  	s29 =	simm.s32 $0x9;
	_ =	strace $0x80000048  }
0xc2: {  	_ =	swait.ge [sflag:s29], $0x1  }
0xc3: {  	[sflag:s29] =	ssyncadd.s32 $0xFFFFFFFF  }
0xc4: {  	_ =	strace $0x90000048  }
0xc5: {  	_ =	sfence  }
0xc6: {  	s30 =	sld [smem:$0x0];
	_ =	sdelay $0x2  }
0xc7: {  	s31 =	sshll.u32 s1, $0xD;
	s1 =	sshrl.u32 s1, $0x2  }
0xc8: {  	s3 =	sand.u32 $0x4000, s31;
	s1 =	sadd.s32 s1, s30  }
0xc9: {  	s0 =	sor.u32 s3, s0;
	s1 =	sshll.u32 s1, $0x11  }
0xca: {  	s0 =	sor.u32 s1, s0  }
0xcb: {  	s0 =	sadd.s32 $0x8F2B, s0  }
0xcc: {  	[sflag:s0] =	ssyncadd.remote.s32 $0x1  }
0xcd: {  	_ =	sfence.sel $0xFFFF  }
0xce: {  	[dreg:$0x0] =	wrdreg $0xFFFFFFFF;
	(pc) =	sbr.abs _section_cstart, $3  }
0xcf: {  	[dreg:$0x1] =	wrdreg $0xFFFFFFFF  }
0xd0: {  	_ =	task.clear_ibuf [dreg:s11], $0x2FFFF;
	_ =	strace $0x9FFFFFFF  }
0xd1: {  	(tm) =	ssettm $0x7FFFFFFF  }
tec
execute0_lowered:
.L_overlay_start_1:
0x0: {  	(tag) =	ssettag $0x1  }
0x1: {  	s6 =	rddreg [dreg:$0x0]  }
0x2: {  	s7 =	rddreg [dreg:$0x1]  }
0x3: {  	s8 =	rddreg [dreg:$0x2]  }
0x4: {  	s1 =	rddreg [dreg:$0x3]  }
0x5: {  	s9 =	rddreg [dreg:$0x4]  }
0x6: {  	s2 =	rddreg [dreg:$0x5]  }
0x7: {  	s0 =	rddreg [dreg:$0x6];
	s4 =	simm.s32 $0x0;
	s5 =	srdreg.scid  }
0x8: {  	s3 =	stileid.u32;
	s16 =	simm.s32 $0x10;
	s17 =	simm.s32 $0x1  }
0x9: {  	s18 =	simm.s32 $0x110;
	s19 =	simm.s32 $0x210;
	s20 =	simm.s32 $0x310  }
0xa: {  	s21 =	simm.s32 $0x410;
	[smem:$0x7FF] =	sst s4;
	s10 =	sand.u32 $0x1, s5  }
0xb: {  	s11 =	sshll.u32 s3, $0x5;
	s5 =	sadd.s32 $0x1600, s9;
	s12 =	sshll.u32 s10, $0x4  }
0xc: {  	_ =	strace $0x80000047;
	s10 =	ssub.s32 $0x2, s10;
	s11 =	sor.u32 s12, s11  }
0xd: {  	s13 =	sshrl.u32 s10, $0x1;
	s12 =	sshll.u32 s11, $0x1;
	s11 =	sshrl.u32 s11, $0x3  }
0xe: {  	s15 =	ssub.s32 s10, s13;
	s14 =	sadd.s32 s12, s9;
	s6 =	sadd.s32 s6, s11  }
0xf: {  	s7 =	sadd.s32 s7, s11;
	s8 =	sadd.s32 s8, s11;
	s9 =	sadd.s32 $0x1A00, s14  }
0x10: {  	s10 =	sadd.s32 $0x1E00, s14;
	s11 =	sadd.s32 $0x2200, s14;
	s12 =	sadd.s32 $0x2600, s14  }
0x11: {  	s13 =	sadd.s32 $0x2A00, s14;
	s14 =	smax.u32 s15, $0x1;
	s15 =	simm.s32 $0x2  }
.LBB2_1:
0x12: {  	[tilespmem:s4], [sflag:$0x2] =	stream.linear.gather [hbm4b:s6+s4], $0x10, $0x38;
	[tilespmem:$0x510] =	vst v63  }
0x13: {  	_ =	swait.ge [sflag:s15], $0x10  }
0x14: {  	[sflag:s15] =	ssyncset.done $0x0  }
0x15: {  	[sflag:s15] =	ssyncadd.s32 $0xFFFFFFF0  }
0x16: {  	[tilespmem:s16], [sflag:$0x1] =	stream.indirect.gather [hbm4b:s1+s16], $0x10, s4, s16, $0xb8;
	[tilespmem:$0x510] =	vst v63  }
0x17: {  	_ =	swait.ge [sflag:s17], $0x100  }
0x18: {  	[sflag:s17] =	ssyncset.done $0x0  }
0x19: {  	[sflag:s17] =	ssyncadd.s32 $0xFFFFFF00  }
0x1a: {  	[tilespmem:s4], [sflag:$0x2] =	stream.linear.gather [hbm4b:s7+s4], $0x10, $0x38;
	[tilespmem:$0x510] =	vst v63  }
0x1b: {  	_ =	swait.ge [sflag:s15], $0x10  }
0x1c: {  	[sflag:s15] =	ssyncset.done $0x0  }
0x1d: {  	[sflag:s15] =	ssyncadd.s32 $0xFFFFFFF0  }
0x1e: {  	[tilespmem:s18], [sflag:$0x1] =	stream.indirect.gather [hbm4b:s5+s16], $0x10, s4, s16, $0xb8;
	[tilespmem:$0x510] =	vst v63  }
0x1f: {  	_ =	swait.ge [sflag:s17], $0x100  }
0x20: {  	[sflag:s17] =	ssyncset.done $0x0  }
0x21: {  	[sflag:s17] =	ssyncadd.s32 $0xFFFFFF00  }
0x22: {  	[tilespmem:s4], [sflag:$0x2] =	stream.linear.gather [hbm4b:s8+s4], $0x10, $0x38;
	[tilespmem:$0x510] =	vst v63  }
0x23: {  	_ =	swait.ge [sflag:s15], $0x10  }
0x24: {  	[sflag:s15] =	ssyncset.done $0x0  }
0x25: {  	[sflag:s15] =	ssyncadd.s32 $0xFFFFFFF0  }
0x26: {  	[tilespmem:s19], [sflag:$0x1] =	stream.indirect.gather [hbm4b:s2+s16], $0x10, s4, s16, $0xb8;
	[tilespmem:$0x510] =	vst v63  }
0x27: {  	_ =	swait.ge [sflag:s17], $0x100  }
0x28: {  	[sflag:s17] =	ssyncset.done $0x0  }
0x29: {  	[sflag:s17] =	ssyncadd.s32 $0xFFFFFF00  }
0x2a: {  	v0 =	vld [tilespmem:$0x210]  }
0x2b: {  	v1 =	vld [tilespmem:$0x110]  }
0x2c: {  	v2 =	vld [tilespmem:$0x220]  }
0x2d: {  	v3 =	vld [tilespmem:$0x120]  }
0x2e: {  	v4 =	vld [tilespmem:$0x230]  }
0x2f: {  	v5 =	vld [tilespmem:$0x130]  }
0x30: {  	v7 =	vld [tilespmem:$0x240];
	v6 =	vadd.f32 v1, v0  }
0x31: {  	v62 =	vld [tilespmem:$0x140];
	v0 =	vsub.f32 v0, v1  }
0x32: {  	v8 =	vld [tilespmem:$0x250];
	v63 =	vadd.f32 v3, v2;
	[tilespmem:$0x310] =	vst v6  }
0x33: {  	v13 =	vld [tilespmem:$0x150];
	v12 =	vsub.f32 v2, v3;
	[tilespmem:$0x410] =	vst v0  }
0x34: {  	v15 =	vld [tilespmem:$0x260];
	v14 =	vadd.f32 v5, v4;
	[tilespmem:$0x320] =	vst v63  }
0x35: {  	v17 =	vld [tilespmem:$0x160];
	v16 =	vsub.f32 v4, v5;
	[tilespmem:$0x420] =	vst v12  }
0x36: {  	v19 =	vld [tilespmem:$0x270];
	v18 =	vadd.f32 v62, v7;
	[tilespmem:$0x330] =	vst v14  }
0x37: {  	v21 =	vld [tilespmem:$0x170];
	v20 =	vsub.f32 v7, v62;
	[tilespmem:$0x430] =	vst v16  }
0x38: {  	v23 =	vld [tilespmem:$0x280];
	v22 =	vadd.f32 v13, v8;
	[tilespmem:$0x340] =	vst v18  }
0x39: {  	v25 =	vld [tilespmem:$0x180];
	v24 =	vsub.f32 v8, v13;
	[tilespmem:$0x440] =	vst v20  }
0x3a: {  	v27 =	vld [tilespmem:$0x290];
	v26 =	vadd.f32 v17, v15;
	[tilespmem:$0x350] =	vst v22  }
0x3b: {  	v29 =	vld [tilespmem:$0x190];
	v28 =	vsub.f32 v15, v17;
	[tilespmem:$0x450] =	vst v24  }
0x3c: {  	v31 =	vld [tilespmem:$0x2A0];
	v30 =	vadd.f32 v21, v19;
	[tilespmem:$0x360] =	vst v26  }
0x3d: {  	v33 =	vld [tilespmem:$0x1A0];
	v32 =	vsub.f32 v19, v21;
	[tilespmem:$0x460] =	vst v28  }
0x3e: {  	v35 =	vld [tilespmem:$0x2B0];
	v34 =	vadd.f32 v25, v23;
	[tilespmem:$0x370] =	vst v30  }
0x3f: {  	v37 =	vld [tilespmem:$0x1B0];
	v36 =	vsub.f32 v23, v25;
	[tilespmem:$0x470] =	vst v32  }
0x40: {  	v39 =	vld [tilespmem:$0x2C0];
	v38 =	vadd.f32 v29, v27;
	[tilespmem:$0x380] =	vst v34  }
0x41: {  	v41 =	vld [tilespmem:$0x1C0];
	v40 =	vsub.f32 v27, v29;
	[tilespmem:$0x480] =	vst v36  }
0x42: {  	v43 =	vld [tilespmem:$0x2D0];
	v42 =	vadd.f32 v33, v31;
	[tilespmem:$0x390] =	vst v38  }
0x43: {  	v45 =	vld [tilespmem:$0x1D0];
	v44 =	vsub.f32 v31, v33;
	[tilespmem:$0x490] =	vst v40  }
0x44: {  	v47 =	vld [tilespmem:$0x2E0];
	v46 =	vadd.f32 v37, v35;
	[tilespmem:$0x3A0] =	vst v42  }
0x45: {  	v49 =	vld [tilespmem:$0x1E0];
	v48 =	vsub.f32 v35, v37;
	[tilespmem:$0x4A0] =	vst v44  }
0x46: {  	v51 =	vld [tilespmem:$0x2F0];
	v50 =	vadd.f32 v41, v39;
	[tilespmem:$0x3B0] =	vst v46  }
0x47: {  	v53 =	vld [tilespmem:$0x1F0];
	v52 =	vsub.f32 v39, v41;
	[tilespmem:$0x4B0] =	vst v48  }
0x48: {  	v55 =	vld [tilespmem:$0x300];
	v54 =	vadd.f32 v45, v43;
	[tilespmem:$0x3C0] =	vst v50  }
0x49: {  	v57 =	vld [tilespmem:$0x200];
	v56 =	vsub.f32 v43, v45;
	[tilespmem:$0x4C0] =	vst v52  }
0x4a: {  	v58 =	vadd.f32 v49, v47;
	[tilespmem:$0x3D0] =	vst v54  }
0x4b: {  	v59 =	vsub.f32 v47, v49;
	[tilespmem:$0x4D0] =	vst v56  }
0x4c: {  	v60 =	vadd.f32 v53, v51;
	[tilespmem:$0x3E0] =	vst v58  }
0x4d: {  	v61 =	vsub.f32 v51, v53;
	[tilespmem:$0x4E0] =	vst v59  }
0x4e: {  	v62 =	vadd.f32 v57, v55;
	[tilespmem:$0x3F0] =	vst v60  }
0x4f: {  	[tilespmem:$0x4F0] =	vst v61;
	v63 =	vsub.f32 v55, v57  }
0x50: {  	[tilespmem:$0x400] =	vst v62  }
0x51: {  	[tilespmem:$0x500] =	vst v63  }
0x52: {  	[hbm4b:s9+s4] =	stream.linear.scatter [tilespmem:s16], [sflag:$0x2], $0x100, $0x38;
	[tilespmem:$0x510] =	vst v63  }
0x53: {  	_ =	swait.ge [sflag:s15], $0x100  }
0x54: {  	[sflag:s15] =	ssyncset.done $0x0  }
0x55: {  	[sflag:s15] =	ssyncadd.s32 $0xFFFFFF00  }
0x56: {  	[hbm4b:s10+s4] =	stream.linear.scatter [tilespmem:s18], [sflag:$0x2], $0x100, $0x38;
	[tilespmem:$0x510] =	vst v63  }
0x57: {  	_ =	swait.ge [sflag:s15], $0x100  }
0x58: {  	[sflag:s15] =	ssyncset.done $0x0  }
0x59: {  	[sflag:s15] =	ssyncadd.s32 $0xFFFFFF00  }
0x5a: {  	[hbm4b:s11+s4] =	stream.linear.scatter [tilespmem:s19], [sflag:$0x2], $0x100, $0x38;
	[tilespmem:$0x510] =	vst v63  }
0x5b: {  	_ =	swait.ge [sflag:s15], $0x100  }
0x5c: {  	[sflag:s15] =	ssyncset.done $0x0  }
0x5d: {  	[sflag:s15] =	ssyncadd.s32 $0xFFFFFF00  }
0x5e: {  	[hbm4b:s12+s4] =	stream.linear.scatter [tilespmem:s20], [sflag:$0x2], $0x100, $0x38;
	[tilespmem:$0x510] =	vst v63  }
0x5f: {  	_ =	swait.ge [sflag:s15], $0x100  }
0x60: {  	p0 =	sne.s32 s14, $0x1;
	[sflag:s15] =	ssyncset.done $0x0  }
.Ltmp0:
0x61: {  	[sflag:s15] =	ssyncadd.s32 $0xFFFFFF00;
	(pc) =	sbr.rel @p0 .LBB2_1-.Ltmp0, $4  }
0x62: {  	[hbm4b:s13+s4] =	stream.linear.scatter [tilespmem:s21], [sflag:$0x2], $0x100, $0x38;
	[tilespmem:$0x510] =	vst v63  }
0x63: {  	_ =	swait.ge [sflag:s15], $0x100  }
0x64: {  	[sflag:s15] =	ssyncset.done $0x0  }
0x65: {  	s14 =	sadd.s32 $0xFFFFFFFF, s14;
	[sflag:s15] =	ssyncadd.s32 $0xFFFFFF00  }
0x66: {  	_ =	sfence.sel $0x180000  }
0x67: {  	[bflag:$0x0] =	sbarrier.arrive $0xFFFF  }
0x68: {  	p0 =	sne.s32 s3, $0x0;
	_ =	strace $0x90000047  }
0x69: {  	s0 =	sadd.s32 @!p0 $0x100000, s0;
	[bflag:$0x2] =	sbarrier.arrive $0xFFFF  }
0x6a: {  	[sflag:s0] =	ssyncadd.tile.s32 @!p0 $0x1;
	_ =	shalt  }
.Lfunc_end2:
_tile_overlayer_lowered:
.L_overlay_start_2:
0x6b: {  	(tag) =	ssettag $0x2  }
0x6c: {  	s0 =	rddreg [dreg:$0x0];
	s2 =	stileid.u32  }
0x6d: {  	s1 =	rddreg [dreg:$0x1];
	p0 =	sne.s32 s2, $0x0  }
0x6e: {  	s3 =	rddreg [dreg:$0x2];
	[bflag:$0x3] =	sbarrier.arrive $0xFFFF;
	s2 =	simm.s32 @!p0 $0x1C02  }
0x6f: {  	[timem:s3], [sflag:s2] =	dma.local @!p0 [hbm:s0], s1  }
0x70: {  	s0 =	simm.s32 @!p0 $0x2  }
0x71: {  	_ =	swait.ge @!p0 [sflag:s0], s1  }
0x72: {  	s1 =	ssub.s32 @!p0 $0x0, s1;
	[sflag:s0] =	ssyncset.done @!p0 $0x0  }
0x73: {  	[sflag:s0] =	ssyncadd.s32 @!p0 s1  }
0x74: {  	[bflag:$0x3] =	sbarrier.arrive $0xFFFF  }
0x75: {  	_ =	shalt  }

</sc_bundles>
